<compile_context>
chip_gen: v7x
topology: tpu7x:2x2x1
jax: 0.10.2.dev20260603
libtpu: 0.0.44.dev20260713+nightly
codegen_flags: <defaults>
</compile_context>

<pallas_src>
import functools

import jax
import jax.numpy as jnp
from jax import lax
from jax.experimental import pallas as pl
from jax.experimental.pallas import tpu as pltpu
from jax.experimental.pallas import tpu_sc as plsc

_NC = 2
_NS = 16
_L = 16
_NW = _NC * _NS

_CHUNK = 32
_NBUF = 3


def _sc_body(n_rows, d, table_hbm, slm1_hbm, out_hbm, slm1_v, idx_v,
             bufs_v, *sems):
    b_per_w = n_rows // _NW
    n_chunks = b_per_w // _CHUNK
    wid = lax.axis_index("s") * _NC + lax.axis_index("c")
    base = wid * b_per_w

    pltpu.sync_copy(slm1_hbm, slm1_v)
    slm1 = slm1_v[...]

    for i in range(b_per_w // _L):
        rows = lax.broadcasted_iota(jnp.int32, (_L,), 0) + (base + i * _L)
        idx_v[pl.ds(i * _L, _L)] = jnp.minimum(rows, slm1)

    def gather(c):
        return pltpu.async_copy(
            table_hbm.at[idx_v.at[pl.ds(c * _CHUNK, _CHUNK)]],
            bufs_v.at[c % _NBUF],
            sems[c % _NBUF],
        )

    inflight = [gather(c) for c in range(min(_NBUF, n_chunks))]
    for c in range(n_chunks):
        inflight[c % _NBUF].wait()
        pltpu.sync_copy(
            bufs_v.at[c % _NBUF],
            out_hbm.at[pl.ds(base + c * _CHUNK, _CHUNK)],
        )
        if c + _NBUF < n_chunks:
            inflight[c % _NBUF] = gather(c + _NBUF)


@functools.partial(jax.jit, static_argnums=(1, 2))
def _lookup(table, n_rows, d, slm1):
    body = functools.partial(_sc_body, n_rows, d)
    return pl.kernel(
        body,
        out_type=jax.ShapeDtypeStruct((n_rows, d), table.dtype),
        mesh=plsc.VectorSubcoreMesh(core_axis_name="c", subcore_axis_name="s"),
        scratch_types=[
            pltpu.VMEM((_L,), jnp.int32),
            pltpu.VMEM((n_rows // _NW,), jnp.int32),
            pltpu.VMEM((_NBUF, _CHUNK, d), table.dtype),
        ] + [pltpu.SemaphoreType.DMA] * _NBUF,
    )(table, slm1)


def kernel(position_embeddings, seq_len):
    n_rows, d = position_embeddings.shape
    slm1 = jnp.full((_L,), jnp.asarray(seq_len, jnp.int32) - 1, jnp.int32)
    return _lookup(position_embeddings, n_rows, d, slm1)

# --- scband reference (transcript-rebuilt; emitter-appended) ---
"""Pipeline reference for scband-learned-position-embedding-33105607917988 (READ-ONLY COPY).

The authoritative reference and input builder live on the scoring server;
editing this copy changes nothing except your own understanding.
"""

import jax, jax.numpy as jnp
import numpy as np

MAX_SEQ_LEN = 8192
D_MODEL = 1024
SEQ_LEN = 8192

def setup_inputs(seed: int = 0) -> dict:
    key = jax.random.key(seed)
    # Learned position embedding table, init normal(std=0.02) like nn.init.normal_
    table = jax.random.normal(key, (MAX_SEQ_LEN, D_MODEL), dtype=jnp.float32) * 0.02
    return {"position_embeddings": table, "seq_len": SEQ_LEN}

def reference(position_embeddings, seq_len):
    # forward: positions = arange(seq_len); return embedding(positions)
    positions = jnp.arange(position_embeddings.shape[0])
    positions = jnp.minimum(positions, seq_len - 1)
    return jnp.take(position_embeddings, positions, axis=0)

if __name__ == "__main__":
    import jax
    _d = setup_inputs()
    print(jax.jit(kernel)(*tuple(_d.values())))

</pallas_src>

<mosaic_0001>
#map = affine_map<(d0, d1) -> (0, 0)>
#map1 = affine_map<(d0, d1) -> (0)>
module attributes {stable_mosaic.version = 14 : i64} {
  func.func @_sc_body(%arg0: i32, %arg1: i32, %arg2: memref<8192x1024xf32, #tpu.memory_space<hbm>>, %arg3: memref<16xi32, #tpu.memory_space<hbm>>, %arg4: memref<8192x1024xf32, #tpu.memory_space<hbm>>, %arg5: memref<16xi32, #tpu.memory_space<vmem>>, %arg6: memref<256xi32, #tpu.memory_space<vmem>>, %arg7: memref<3x32x1024xf32, #tpu.memory_space<vmem>>, %arg8: memref<!tpu.dma_semaphore, #tpu.memory_space<semaphore_mem>>, %arg9: memref<!tpu.dma_semaphore, #tpu.memory_space<semaphore_mem>>, %arg10: memref<!tpu.dma_semaphore, #tpu.memory_space<semaphore_mem>>) attributes {dimension_semantics = [#tpu.dimension_semantics<core_parallel>, #tpu.dimension_semantics<subcore_parallel>], iteration_bounds = array<i64: 2, 16>, scalar_prefetch = 0 : i64, scratch_operands = 6 : i64, tpu.core_type = #tpu.core_type<sc_vector_subcore>, window_params = [{transform_indices = #map}, {transform_indices = #map1}, {transform_indices = #map}]} {
    %mul3A = arith.constant 2 : i32
    %mul3A_0 = arith.muli %arg1, %mul3A : i32
    %add3A = arith.addi %mul3A_0, %arg0 : i32
    %mul3A_1 = arith.constant 256 : i32
    %mul3A_2 = arith.muli %add3A, %mul3A_1 : i32
    "tpu.region"() ({
      %run_scoped3A_343 = tpu.sem_alloc : memref<!tpu.dma_semaphore, #tpu.memory_space<semaphore_mem>>
      tpu.enqueue_dma source(%arg3 : memref<16xi32, #tpu.memory_space<hbm>>) target(%arg5 : memref<16xi32, #tpu.memory_space<vmem>>) target_semaphore(%run_scoped3A_343 : memref<!tpu.dma_semaphore, #tpu.memory_space<semaphore_mem>>)
      tpu.wait_dma2 semaphore(%run_scoped3A_343 : memref<!tpu.dma_semaphore, #tpu.memory_space<semaphore_mem>>) src(%arg3 : memref<16xi32, #tpu.memory_space<hbm>>) dst(%arg5 : memref<16xi32, #tpu.memory_space<vmem>>)
      tpu.yield
    }) : () -> ()
    %get3A = arith.constant 0 : index
    %get3A_3 = tpu.vector_load %arg5[%get3A] {strides = array<i32>} : memref<16xi32, #tpu.memory_space<vmem>>, vector<16xi32>,
    %get3A_4 = vector.shape_cast %get3A_3 : vector<16xi32> to vector<16xi32>
    %iota3A = tpu.iota {dimensions = array<i32: 0>} : vector<16xi32>
    %add3A_5 = arith.constant 0 : i32
    %add3A_6 = arith.addi %mul3A_2, %add3A_5 : i32
    %add3A_7 = vector.broadcast %add3A_6 : i32 to vector<16xi32>
    %add3A_8 = arith.addi %iota3A, %add3A_7 : vector<16xi32>
    %min3A = arith.minsi %add3A_8, %get3A_4 : vector<16xi32>
    %swap3A = arith.constant 0 : index
    %swap3A_9 = tpu.vector_load %arg6[%swap3A] {strides = array<i32>} : memref<256xi32, #tpu.memory_space<vmem>>, vector<16xi32>,
    %swap3A_10 = vector.shape_cast %swap3A_9 : vector<16xi32> to vector<16xi32>
    %swap3A_11 = vector.shape_cast %min3A : vector<16xi32> to vector<16xi32>
    tpu.vector_store %arg6[%swap3A], %swap3A_11 {strides = array<i32>} : memref<256xi32, #tpu.memory_space<vmem>>, vector<16xi32>,
    %iota3A_12 = tpu.iota {dimensions = array<i32: 0>} : vector<16xi32>
    %add3A_13 = arith.constant 16 : i32
    %add3A_14 = arith.addi %mul3A_2, %add3A_13 : i32
    %add3A_15 = vector.broadcast %add3A_14 : i32 to vector<16xi32>
    %add3A_16 = arith.addi %iota3A_12, %add3A_15 : vector<16xi32>
    %min3A_17 = arith.minsi %add3A_16, %get3A_4 : vector<16xi32>
    %swap3A_18 = arith.constant 16 : index
    %swap3A_19 = tpu.vector_load %arg6[%swap3A_18] {strides = array<i32>} : memref<256xi32, #tpu.memory_space<vmem>>, vector<16xi32>,
    %swap3A_20 = vector.shape_cast %swap3A_19 : vector<16xi32> to vector<16xi32>
    %swap3A_21 = vector.shape_cast %min3A_17 : vector<16xi32> to vector<16xi32>
    tpu.vector_store %arg6[%swap3A_18], %swap3A_21 {strides = array<i32>} : memref<256xi32, #tpu.memory_space<vmem>>, vector<16xi32>,
    %iota3A_22 = tpu.iota {dimensions = array<i32: 0>} : vector<16xi32>
    %add3A_23 = arith.constant 32 : i32
    %add3A_24 = arith.addi %mul3A_2, %add3A_23 : i32
    %add3A_25 = vector.broadcast %add3A_24 : i32 to vector<16xi32>
    %add3A_26 = arith.addi %iota3A_22, %add3A_25 : vector<16xi32>
    %min3A_27 = arith.minsi %add3A_26, %get3A_4 : vector<16xi32>
    %swap3A_28 = arith.constant 32 : index
    %swap3A_29 = tpu.vector_load %arg6[%swap3A_28] {strides = array<i32>} : memref<256xi32, #tpu.memory_space<vmem>>, vector<16xi32>,
    %swap3A_30 = vector.shape_cast %swap3A_29 : vector<16xi32> to vector<16xi32>
    %swap3A_31 = vector.shape_cast %min3A_27 : vector<16xi32> to vector<16xi32>
    tpu.vector_store %arg6[%swap3A_28], %swap3A_31 {strides = array<i32>} : memref<256xi32, #tpu.memory_space<vmem>>, vector<16xi32>,
    %iota3A_32 = tpu.iota {dimensions = array<i32: 0>} : vector<16xi32>
    %add3A_33 = arith.constant 48 : i32
    %add3A_34 = arith.addi %mul3A_2, %add3A_33 : i32
    %add3A_35 = vector.broadcast %add3A_34 : i32 to vector<16xi32>
    %add3A_36 = arith.addi %iota3A_32, %add3A_35 : vector<16xi32>
    %min3A_37 = arith.minsi %add3A_36, %get3A_4 : vector<16xi32>
    %swap3A_38 = arith.constant 48 : index
    %swap3A_39 = tpu.vector_load %arg6[%swap3A_38] {strides = array<i32>} : memref<256xi32, #tpu.memory_space<vmem>>, vector<16xi32>,
    %swap3A_40 = vector.shape_cast %swap3A_39 : vector<16xi32> to vector<16xi32>
    %swap3A_41 = vector.shape_cast %min3A_37 : vector<16xi32> to vector<16xi32>
    tpu.vector_store %arg6[%swap3A_38], %swap3A_41 {strides = array<i32>} : memref<256xi32, #tpu.memory_space<vmem>>, vector<16xi32>,
    %iota3A_42 = tpu.iota {dimensions = array<i32: 0>} : vector<16xi32>
    %add3A_43 = arith.constant 64 : i32
    %add3A_44 = arith.addi %mul3A_2, %add3A_43 : i32
    %add3A_45 = vector.broadcast %add3A_44 : i32 to vector<16xi32>
    %add3A_46 = arith.addi %iota3A_42, %add3A_45 : vector<16xi32>
    %min3A_47 = arith.minsi %add3A_46, %get3A_4 : vector<16xi32>
    %swap3A_48 = arith.constant 64 : index
    %swap3A_49 = tpu.vector_load %arg6[%swap3A_48] {strides = array<i32>} : memref<256xi32, #tpu.memory_space<vmem>>, vector<16xi32>,
    %swap3A_50 = vector.shape_cast %swap3A_49 : vector<16xi32> to vector<16xi32>
    %swap3A_51 = vector.shape_cast %min3A_47 : vector<16xi32> to vector<16xi32>
    tpu.vector_store %arg6[%swap3A_48], %swap3A_51 {strides = array<i32>} : memref<256xi32, #tpu.memory_space<vmem>>, vector<16xi32>,
    %iota3A_52 = tpu.iota {dimensions = array<i32: 0>} : vector<16xi32>
    %add3A_53 = arith.constant 80 : i32
    %add3A_54 = arith.addi %mul3A_2, %add3A_53 : i32
    %add3A_55 = vector.broadcast %add3A_54 : i32 to vector<16xi32>
    %add3A_56 = arith.addi %iota3A_52, %add3A_55 : vector<16xi32>
    %min3A_57 = arith.minsi %add3A_56, %get3A_4 : vector<16xi32>
    %swap3A_58 = arith.constant 80 : index
    %swap3A_59 = tpu.vector_load %arg6[%swap3A_58] {strides = array<i32>} : memref<256xi32, #tpu.memory_space<vmem>>, vector<16xi32>,
    %swap3A_60 = vector.shape_cast %swap3A_59 : vector<16xi32> to vector<16xi32>
    %swap3A_61 = vector.shape_cast %min3A_57 : vector<16xi32> to vector<16xi32>
    tpu.vector_store %arg6[%swap3A_58], %swap3A_61 {strides = array<i32>} : memref<256xi32, #tpu.memory_space<vmem>>, vector<16xi32>,
    %iota3A_62 = tpu.iota {dimensions = array<i32: 0>} : vector<16xi32>
    %add3A_63 = arith.constant 96 : i32
    %add3A_64 = arith.addi %mul3A_2, %add3A_63 : i32
    %add3A_65 = vector.broadcast %add3A_64 : i32 to vector<16xi32>
    %add3A_66 = arith.addi %iota3A_62, %add3A_65 : vector<16xi32>
    %min3A_67 = arith.minsi %add3A_66, %get3A_4 : vector<16xi32>
    %swap3A_68 = arith.constant 96 : index
    %swap3A_69 = tpu.vector_load %arg6[%swap3A_68] {strides = array<i32>} : memref<256xi32, #tpu.memory_space<vmem>>, vector<16xi32>,
    %swap3A_70 = vector.shape_cast %swap3A_69 : vector<16xi32> to vector<16xi32>
    %swap3A_71 = vector.shape_cast %min3A_67 : vector<16xi32> to vector<16xi32>
    tpu.vector_store %arg6[%swap3A_68], %swap3A_71 {strides = array<i32>} : memref<256xi32, #tpu.memory_space<vmem>>, vector<16xi32>,
    %iota3A_72 = tpu.iota {dimensions = array<i32: 0>} : vector<16xi32>
    %add3A_73 = arith.constant 112 : i32
    %add3A_74 = arith.addi %mul3A_2, %add3A_73 : i32
    %add3A_75 = vector.broadcast %add3A_74 : i32 to vector<16xi32>
    %add3A_76 = arith.addi %iota3A_72, %add3A_75 : vector<16xi32>
    %min3A_77 = arith.minsi %add3A_76, %get3A_4 : vector<16xi32>
    %swap3A_78 = arith.constant 112 : index
    %swap3A_79 = tpu.vector_load %arg6[%swap3A_78] {strides = array<i32>} : memref<256xi32, #tpu.memory_space<vmem>>, vector<16xi32>,
    %swap3A_80 = vector.shape_cast %swap3A_79 : vector<16xi32> to vector<16xi32>
    %swap3A_81 = vector.shape_cast %min3A_77 : vector<16xi32> to vector<16xi32>
    tpu.vector_store %arg6[%swap3A_78], %swap3A_81 {strides = array<i32>} : memref<256xi32, #tpu.memory_space<vmem>>, vector<16xi32>,
    %iota3A_82 = tpu.iota {dimensions = array<i32: 0>} : vector<16xi32>
    %add3A_83 = arith.constant 128 : i32
    %add3A_84 = arith.addi %mul3A_2, %add3A_83 : i32
    %add3A_85 = vector.broadcast %add3A_84 : i32 to vector<16xi32>
    %add3A_86 = arith.addi %iota3A_82, %add3A_85 : vector<16xi32>
    %min3A_87 = arith.minsi %add3A_86, %get3A_4 : vector<16xi32>
    %swap3A_88 = arith.constant 128 : index
    %swap3A_89 = tpu.vector_load %arg6[%swap3A_88] {strides = array<i32>} : memref<256xi32, #tpu.memory_space<vmem>>, vector<16xi32>,
    %swap3A_90 = vector.shape_cast %swap3A_89 : vector<16xi32> to vector<16xi32>
    %swap3A_91 = vector.shape_cast %min3A_87 : vector<16xi32> to vector<16xi32>
    tpu.vector_store %arg6[%swap3A_88], %swap3A_91 {strides = array<i32>} : memref<256xi32, #tpu.memory_space<vmem>>, vector<16xi32>,
    %iota3A_92 = tpu.iota {dimensions = array<i32: 0>} : vector<16xi32>
    %add3A_93 = arith.constant 144 : i32
    %add3A_94 = arith.addi %mul3A_2, %add3A_93 : i32
    %add3A_95 = vector.broadcast %add3A_94 : i32 to vector<16xi32>
    %add3A_96 = arith.addi %iota3A_92, %add3A_95 : vector<16xi32>
    %min3A_97 = arith.minsi %add3A_96, %get3A_4 : vector<16xi32>
    %swap3A_98 = arith.constant 144 : index
    %swap3A_99 = tpu.vector_load %arg6[%swap3A_98] {strides = array<i32>} : memref<256xi32, #tpu.memory_space<vmem>>, vector<16xi32>,
    %swap3A_100 = vector.shape_cast %swap3A_99 : vector<16xi32> to vector<16xi32>
    %swap3A_101 = vector.shape_cast %min3A_97 : vector<16xi32> to vector<16xi32>
    tpu.vector_store %arg6[%swap3A_98], %swap3A_101 {strides = array<i32>} : memref<256xi32, #tpu.memory_space<vmem>>, vector<16xi32>,
    %iota3A_102 = tpu.iota {dimensions = array<i32: 0>} : vector<16xi32>
    %add3A_103 = arith.constant 160 : i32
    %add3A_104 = arith.addi %mul3A_2, %add3A_103 : i32
    %add3A_105 = vector.broadcast %add3A_104 : i32 to vector<16xi32>
    %add3A_106 = arith.addi %iota3A_102, %add3A_105 : vector<16xi32>
    %min3A_107 = arith.minsi %add3A_106, %get3A_4 : vector<16xi32>
    %swap3A_108 = arith.constant 160 : index
    %swap3A_109 = tpu.vector_load %arg6[%swap3A_108] {strides = array<i32>} : memref<256xi32, #tpu.memory_space<vmem>>, vector<16xi32>,
    %swap3A_110 = vector.shape_cast %swap3A_109 : vector<16xi32> to vector<16xi32>
    %swap3A_111 = vector.shape_cast %min3A_107 : vector<16xi32> to vector<16xi32>
    tpu.vector_store %arg6[%swap3A_108], %swap3A_111 {strides = array<i32>} : memref<256xi32, #tpu.memory_space<vmem>>, vector<16xi32>,
    %iota3A_112 = tpu.iota {dimensions = array<i32: 0>} : vector<16xi32>
    %add3A_113 = arith.constant 176 : i32
    %add3A_114 = arith.addi %mul3A_2, %add3A_113 : i32
    %add3A_115 = vector.broadcast %add3A_114 : i32 to vector<16xi32>
    %add3A_116 = arith.addi %iota3A_112, %add3A_115 : vector<16xi32>
    %min3A_117 = arith.minsi %add3A_116, %get3A_4 : vector<16xi32>
    %swap3A_118 = arith.constant 176 : index
    %swap3A_119 = tpu.vector_load %arg6[%swap3A_118] {strides = array<i32>} : memref<256xi32, #tpu.memory_space<vmem>>, vector<16xi32>,
    %swap3A_120 = vector.shape_cast %swap3A_119 : vector<16xi32> to vector<16xi32>
    %swap3A_121 = vector.shape_cast %min3A_117 : vector<16xi32> to vector<16xi32>
    tpu.vector_store %arg6[%swap3A_118], %swap3A_121 {strides = array<i32>} : memref<256xi32, #tpu.memory_space<vmem>>, vector<16xi32>,
    %iota3A_122 = tpu.iota {dimensions = array<i32: 0>} : vector<16xi32>
    %add3A_123 = arith.constant 192 : i32
    %add3A_124 = arith.addi %mul3A_2, %add3A_123 : i32
    %add3A_125 = vector.broadcast %add3A_124 : i32 to vector<16xi32>
    %add3A_126 = arith.addi %iota3A_122, %add3A_125 : vector<16xi32>
    %min3A_127 = arith.minsi %add3A_126, %get3A_4 : vector<16xi32>
    %swap3A_128 = arith.constant 192 : index
    %swap3A_129 = tpu.vector_load %arg6[%swap3A_128] {strides = array<i32>} : memref<256xi32, #tpu.memory_space<vmem>>, vector<16xi32>,
    %swap3A_130 = vector.shape_cast %swap3A_129 : vector<16xi32> to vector<16xi32>
    %swap3A_131 = vector.shape_cast %min3A_127 : vector<16xi32> to vector<16xi32>
    tpu.vector_store %arg6[%swap3A_128], %swap3A_131 {strides = array<i32>} : memref<256xi32, #tpu.memory_space<vmem>>, vector<16xi32>,
    %iota3A_132 = tpu.iota {dimensions = array<i32: 0>} : vector<16xi32>
    %add3A_133 = arith.constant 208 : i32
    %add3A_134 = arith.addi %mul3A_2, %add3A_133 : i32
    %add3A_135 = vector.broadcast %add3A_134 : i32 to vector<16xi32>
    %add3A_136 = arith.addi %iota3A_132, %add3A_135 : vector<16xi32>
    %min3A_137 = arith.minsi %add3A_136, %get3A_4 : vector<16xi32>
    %swap3A_138 = arith.constant 208 : index
    %swap3A_139 = tpu.vector_load %arg6[%swap3A_138] {strides = array<i32>} : memref<256xi32, #tpu.memory_space<vmem>>, vector<16xi32>,
    %swap3A_140 = vector.shape_cast %swap3A_139 : vector<16xi32> to vector<16xi32>
    %swap3A_141 = vector.shape_cast %min3A_137 : vector<16xi32> to vector<16xi32>
    tpu.vector_store %arg6[%swap3A_138], %swap3A_141 {strides = array<i32>} : memref<256xi32, #tpu.memory_space<vmem>>, vector<16xi32>,
    %iota3A_142 = tpu.iota {dimensions = array<i32: 0>} : vector<16xi32>
    %add3A_143 = arith.constant 224 : i32
    %add3A_144 = arith.addi %mul3A_2, %add3A_143 : i32
    %add3A_145 = vector.broadcast %add3A_144 : i32 to vector<16xi32>
    %add3A_146 = arith.addi %iota3A_142, %add3A_145 : vector<16xi32>
    %min3A_147 = arith.minsi %add3A_146, %get3A_4 : vector<16xi32>
    %swap3A_148 = arith.constant 224 : index
    %swap3A_149 = tpu.vector_load %arg6[%swap3A_148] {strides = array<i32>} : memref<256xi32, #tpu.memory_space<vmem>>, vector<16xi32>,
    %swap3A_150 = vector.shape_cast %swap3A_149 : vector<16xi32> to vector<16xi32>
    %swap3A_151 = vector.shape_cast %min3A_147 : vector<16xi32> to vector<16xi32>
    tpu.vector_store %arg6[%swap3A_148], %swap3A_151 {strides = array<i32>} : memref<256xi32, #tpu.memory_space<vmem>>, vector<16xi32>,
    %iota3A_152 = tpu.iota {dimensions = array<i32: 0>} : vector<16xi32>
    %add3A_153 = arith.constant 240 : i32
    %add3A_154 = arith.addi %mul3A_2, %add3A_153 : i32
    %add3A_155 = vector.broadcast %add3A_154 : i32 to vector<16xi32>
    %add3A_156 = arith.addi %iota3A_152, %add3A_155 : vector<16xi32>
    %min3A_157 = arith.minsi %add3A_156, %get3A_4 : vector<16xi32>
    %swap3A_158 = arith.constant 240 : index
    %swap3A_159 = tpu.vector_load %arg6[%swap3A_158] {strides = array<i32>} : memref<256xi32, #tpu.memory_space<vmem>>, vector<16xi32>,
    %swap3A_160 = vector.shape_cast %swap3A_159 : vector<16xi32> to vector<16xi32>
    %swap3A_161 = vector.shape_cast %min3A_157 : vector<16xi32> to vector<16xi32>
    tpu.vector_store %arg6[%swap3A_158], %swap3A_161 {strides = array<i32>} : memref<256xi32, #tpu.memory_space<vmem>>, vector<16xi32>,
    %dma_start3A = arith.constant 0 : i32
    %dma_start3A_162 = arith.constant 0 : i32
    %dma_start3A_163 = arith.constant 0 : i32
    %dma_start3A_164 = tpu.memref_slice %arg7[%dma_start3A, %dma_start3A_162, %dma_start3A_163] : memref<3x32x1024xf32, #tpu.memory_space<vmem>> -> memref<1x32x1024xf32, #tpu.memory_space<vmem>>
    %dma_start3A_165 = tpu.memref_squeeze %dma_start3A_164 : memref<1x32x1024xf32, #tpu.memory_space<vmem>> -> memref<32x1024xf32, #tpu.memory_space<vmem>>
    %dma_start3A_166 = arith.constant 0 : i32
    %dma_start3A_167 = tpu.memref_slice %arg6[%dma_start3A_166] : memref<256xi32, #tpu.memory_space<vmem>> -> memref<32xi32, #tpu.memory_space<vmem>>
    %dma_start3A_168 = arith.constant 0 : i32
    %dma_start3A_169 = arith.constant 0 : i32
    %dma_start3A_170 = tpu.memref_slice %arg2[%dma_start3A_168, %dma_start3A_169] : memref<8192x1024xf32, #tpu.memory_space<hbm>> -> memref<8192x1024xf32, #tpu.memory_space<hbm>>
    tpu.enqueue_indirect_dma source(%dma_start3A_170 : memref<8192x1024xf32, #tpu.memory_space<hbm>>) target(%dma_start3A_165 : memref<32x1024xf32, #tpu.memory_space<vmem>>) offsets(%dma_start3A_167 : memref<32xi32, #tpu.memory_space<vmem>>) semaphore(%arg8 : memref<!tpu.dma_semaphore, #tpu.memory_space<semaphore_mem>>)
    %dma_start3A_171 = arith.constant 1 : i32
    %dma_start3A_172 = arith.constant 0 : i32
    %dma_start3A_173 = arith.constant 0 : i32
    %dma_start3A_174 = tpu.memref_slice %arg7[%dma_start3A_171, %dma_start3A_172, %dma_start3A_173] : memref<3x32x1024xf32, #tpu.memory_space<vmem>> -> memref<1x32x1024xf32, #tpu.memory_space<vmem>>
    %dma_start3A_175 = tpu.memref_squeeze %dma_start3A_174 : memref<1x32x1024xf32, #tpu.memory_space<vmem>> -> memref<32x1024xf32, #tpu.memory_space<vmem>>
    %dma_start3A_176 = arith.constant 32 : i32
    %dma_start3A_177 = tpu.memref_slice %arg6[%dma_start3A_176] : memref<256xi32, #tpu.memory_space<vmem>> -> memref<32xi32, #tpu.memory_space<vmem>>
    %dma_start3A_178 = arith.constant 0 : i32
    %dma_start3A_179 = arith.constant 0 : i32
    %dma_start3A_180 = tpu.memref_slice %arg2[%dma_start3A_178, %dma_start3A_179] : memref<8192x1024xf32, #tpu.memory_space<hbm>> -> memref<8192x1024xf32, #tpu.memory_space<hbm>>
    tpu.enqueue_indirect_dma source(%dma_start3A_180 : memref<8192x1024xf32, #tpu.memory_space<hbm>>) target(%dma_start3A_175 : memref<32x1024xf32, #tpu.memory_space<vmem>>) offsets(%dma_start3A_177 : memref<32xi32, #tpu.memory_space<vmem>>) semaphore(%arg9 : memref<!tpu.dma_semaphore, #tpu.memory_space<semaphore_mem>>)
    %dma_start3A_181 = arith.constant 2 : i32
    %dma_start3A_182 = arith.constant 0 : i32
    %dma_start3A_183 = arith.constant 0 : i32
    %dma_start3A_184 = tpu.memref_slice %arg7[%dma_start3A_181, %dma_start3A_182, %dma_start3A_183] : memref<3x32x1024xf32, #tpu.memory_space<vmem>> -> memref<1x32x1024xf32, #tpu.memory_space<vmem>>
    %dma_start3A_185 = tpu.memref_squeeze %dma_start3A_184 : memref<1x32x1024xf32, #tpu.memory_space<vmem>> -> memref<32x1024xf32, #tpu.memory_space<vmem>>
    %dma_start3A_186 = arith.constant 64 : i32
    %dma_start3A_187 = tpu.memref_slice %arg6[%dma_start3A_186] : memref<256xi32, #tpu.memory_space<vmem>> -> memref<32xi32, #tpu.memory_space<vmem>>
    %dma_start3A_188 = arith.constant 0 : i32
    %dma_start3A_189 = arith.constant 0 : i32
    %dma_start3A_190 = tpu.memref_slice %arg2[%dma_start3A_188, %dma_start3A_189] : memref<8192x1024xf32, #tpu.memory_space<hbm>> -> memref<8192x1024xf32, #tpu.memory_space<hbm>>
    tpu.enqueue_indirect_dma source(%dma_start3A_190 : memref<8192x1024xf32, #tpu.memory_space<hbm>>) target(%dma_start3A_185 : memref<32x1024xf32, #tpu.memory_space<vmem>>) offsets(%dma_start3A_187 : memref<32xi32, #tpu.memory_space<vmem>>) semaphore(%arg10 : memref<!tpu.dma_semaphore, #tpu.memory_space<semaphore_mem>>)
    %dma_wait3A = arith.constant 0 : i32
    %dma_wait3A_191 = arith.constant 0 : i32
    %dma_wait3A_192 = arith.constant 0 : i32
    %dma_wait3A_193 = tpu.memref_slice %arg7[%dma_wait3A, %dma_wait3A_191, %dma_wait3A_192] : memref<3x32x1024xf32, #tpu.memory_space<vmem>> -> memref<1x32x1024xf32, #tpu.memory_space<vmem>>
    %dma_wait3A_194 = tpu.memref_squeeze %dma_wait3A_193 : memref<1x32x1024xf32, #tpu.memory_space<vmem>> -> memref<32x1024xf32, #tpu.memory_space<vmem>>
    %dma_wait3A_195 = arith.constant 0 : i32
    %dma_wait3A_196 = tpu.memref_slice %arg6[%dma_wait3A_195] : memref<256xi32, #tpu.memory_space<vmem>> -> memref<32xi32, #tpu.memory_space<vmem>>
    %dma_wait3A_197 = arith.constant 0 : i32
    %dma_wait3A_198 = arith.constant 0 : i32
    %dma_wait3A_199 = tpu.memref_slice %arg2[%dma_wait3A_197, %dma_wait3A_198] : memref<8192x1024xf32, #tpu.memory_space<hbm>> -> memref<8192x1024xf32, #tpu.memory_space<hbm>>
    tpu.wait_indirect_dma semaphore(%arg8 : memref<!tpu.dma_semaphore, #tpu.memory_space<semaphore_mem>>) src(%dma_wait3A_199 : memref<8192x1024xf32, #tpu.memory_space<hbm>>) dst(%dma_wait3A_194 : memref<32x1024xf32, #tpu.memory_space<vmem>>)
    %add3A_200 = arith.constant 0 : i32
    %add3A_201 = arith.addi %mul3A_2, %add3A_200 : i32
    %run_scoped3A = arith.constant 0 : i32
    "tpu.region"() ({
      %run_scoped3A_343 = tpu.sem_alloc : memref<!tpu.dma_semaphore, #tpu.memory_space<semaphore_mem>>
      %dma_start3A_344 = arith.constant 0 : i32
      %dma_start3A_345 = arith.constant 0 : i32
      %dma_start3A_346 = tpu.memref_slice %arg7[%run_scoped3A, %dma_start3A_344, %dma_start3A_345] : memref<3x32x1024xf32, #tpu.memory_space<vmem>> -> memref<1x32x1024xf32, #tpu.memory_space<vmem>>
      %dma_start3A_347 = tpu.memref_squeeze %dma_start3A_346 : memref<1x32x1024xf32, #tpu.memory_space<vmem>> -> memref<32x1024xf32, #tpu.memory_space<vmem>>
      %dma_start3A_348 = arith.constant 0 : i32
      %dma_start3A_349 = tpu.memref_slice %arg4[%add3A_201, %dma_start3A_348] : memref<8192x1024xf32, #tpu.memory_space<hbm>> -> memref<32x1024xf32, #tpu.memory_space<hbm>>
      %dma_start3A_350 = arith.constant 0 : i32
      %dma_start3A_351 = tpu.memref_slice %arg4[%add3A_201, %dma_start3A_350] : memref<8192x1024xf32, #tpu.memory_space<hbm>> -> memref<32x1024xf32, #tpu.memory_space<hbm>>
      %dma_start3A_352 = arith.constant 0 : i32
      %dma_start3A_353 = arith.constant 0 : i32
      %dma_start3A_354 = tpu.memref_slice %arg7[%run_scoped3A, %dma_start3A_352, %dma_start3A_353] : memref<3x32x1024xf32, #tpu.memory_space<vmem>> -> memref<1x32x1024xf32, #tpu.memory_space<vmem>>
      %dma_start3A_355 = tpu.memref_squeeze %dma_start3A_354 : memref<1x32x1024xf32, #tpu.memory_space<vmem>> -> memref<32x1024xf32, #tpu.memory_space<vmem>>
      tpu.enqueue_dma source(%dma_start3A_355 : memref<32x1024xf32, #tpu.memory_space<vmem>>) target(%dma_start3A_351 : memref<32x1024xf32, #tpu.memory_space<hbm>>) target_semaphore(%run_scoped3A_343 : memref<!tpu.dma_semaphore, #tpu.memory_space<semaphore_mem>>)
      %dma_wait3A_356 = arith.constant 0 : i32
      %dma_wait3A_357 = arith.constant 0 : i32
      %dma_wait3A_358 = tpu.memref_slice %arg7[%run_scoped3A, %dma_wait3A_356, %dma_wait3A_357] : memref<3x32x1024xf32, #tpu.memory_space<vmem>> -> memref<1x32x1024xf32, #tpu.memory_space<vmem>>
      %dma_wait3A_359 = tpu.memref_squeeze %dma_wait3A_358 : memref<1x32x1024xf32, #tpu.memory_space<vmem>> -> memref<32x1024xf32, #tpu.memory_space<vmem>>
      %dma_wait3A_360 = arith.constant 0 : i32
      %dma_wait3A_361 = tpu.memref_slice %arg4[%add3A_201, %dma_wait3A_360] : memref<8192x1024xf32, #tpu.memory_space<hbm>> -> memref<32x1024xf32, #tpu.memory_space<hbm>>
      %dma_wait3A_362 = arith.constant 0 : i32
      %dma_wait3A_363 = tpu.memref_slice %arg4[%add3A_201, %dma_wait3A_362] : memref<8192x1024xf32, #tpu.memory_space<hbm>> -> memref<32x1024xf32, #tpu.memory_space<hbm>>
      %dma_wait3A_364 = arith.constant 0 : i32
      %dma_wait3A_365 = arith.constant 0 : i32
      %dma_wait3A_366 = tpu.memref_slice %arg7[%run_scoped3A, %dma_wait3A_364, %dma_wait3A_365] : memref<3x32x1024xf32, #tpu.memory_space<vmem>> -> memref<1x32x1024xf32, #tpu.memory_space<vmem>>
      %dma_wait3A_367 = tpu.memref_squeeze %dma_wait3A_366 : memref<1x32x1024xf32, #tpu.memory_space<vmem>> -> memref<32x1024xf32, #tpu.memory_space<vmem>>
      tpu.wait_dma2 semaphore(%run_scoped3A_343 : memref<!tpu.dma_semaphore, #tpu.memory_space<semaphore_mem>>) src(%dma_wait3A_367 : memref<32x1024xf32, #tpu.memory_space<vmem>>) dst(%dma_wait3A_363 : memref<32x1024xf32, #tpu.memory_space<hbm>>)
      tpu.yield
    }) : () -> ()
    %dma_start3A_202 = arith.constant 0 : i32
    %dma_start3A_203 = arith.constant 0 : i32
    %dma_start3A_204 = arith.constant 0 : i32
    %dma_start3A_205 = tpu.memref_slice %arg7[%dma_start3A_202, %dma_start3A_203, %dma_start3A_204] : memref<3x32x1024xf32, #tpu.memory_space<vmem>> -> memref<1x32x1024xf32, #tpu.memory_space<vmem>>
    %dma_start3A_206 = tpu.memref_squeeze %dma_start3A_205 : memref<1x32x1024xf32, #tpu.memory_space<vmem>> -> memref<32x1024xf32, #tpu.memory_space<vmem>>
    %dma_start3A_207 = arith.constant 96 : i32
    %dma_start3A_208 = tpu.memref_slice %arg6[%dma_start3A_207] : memref<256xi32, #tpu.memory_space<vmem>> -> memref<32xi32, #tpu.memory_space<vmem>>
    %dma_start3A_209 = arith.constant 0 : i32
    %dma_start3A_210 = arith.constant 0 : i32
    %dma_start3A_211 = tpu.memref_slice %arg2[%dma_start3A_209, %dma_start3A_210] : memref<8192x1024xf32, #tpu.memory_space<hbm>> -> memref<8192x1024xf32, #tpu.memory_space<hbm>>
    tpu.enqueue_indirect_dma source(%dma_start3A_211 : memref<8192x1024xf32, #tpu.memory_space<hbm>>) target(%dma_start3A_206 : memref<32x1024xf32, #tpu.memory_space<vmem>>) offsets(%dma_start3A_208 : memref<32xi32, #tpu.memory_space<vmem>>) semaphore(%arg8 : memref<!tpu.dma_semaphore, #tpu.memory_space<semaphore_mem>>)
    %dma_wait3A_212 = arith.constant 1 : i32
    %dma_wait3A_213 = arith.constant 0 : i32
    %dma_wait3A_214 = arith.constant 0 : i32
    %dma_wait3A_215 = tpu.memref_slice %arg7[%dma_wait3A_212, %dma_wait3A_213, %dma_wait3A_214] : memref<3x32x1024xf32, #tpu.memory_space<vmem>> -> memref<1x32x1024xf32, #tpu.memory_space<vmem>>
    %dma_wait3A_216 = tpu.memref_squeeze %dma_wait3A_215 : memref<1x32x1024xf32, #tpu.memory_space<vmem>> -> memref<32x1024xf32, #tpu.memory_space<vmem>>
    %dma_wait3A_217 = arith.constant 32 : i32
    %dma_wait3A_218 = tpu.memref_slice %arg6[%dma_wait3A_217] : memref<256xi32, #tpu.memory_space<vmem>> -> memref<32xi32, #tpu.memory_space<vmem>>
    %dma_wait3A_219 = arith.constant 0 : i32
    %dma_wait3A_220 = arith.constant 0 : i32
    %dma_wait3A_221 = tpu.memref_slice %arg2[%dma_wait3A_219, %dma_wait3A_220] : memref<8192x1024xf32, #tpu.memory_space<hbm>> -> memref<8192x1024xf32, #tpu.memory_space<hbm>>
    tpu.wait_indirect_dma semaphore(%arg9 : memref<!tpu.dma_semaphore, #tpu.memory_space<semaphore_mem>>) src(%dma_wait3A_221 : memref<8192x1024xf32, #tpu.memory_space<hbm>>) dst(%dma_wait3A_216 : memref<32x1024xf32, #tpu.memory_space<vmem>>)
    %add3A_222 = arith.constant 32 : i32
    %add3A_223 = arith.addi %mul3A_2, %add3A_222 : i32
    %run_scoped3A_224 = arith.constant 1 : i32
    "tpu.region"() ({
      %run_scoped3A_343 = tpu.sem_alloc : memref<!tpu.dma_semaphore, #tpu.memory_space<semaphore_mem>>
      %dma_start3A_344 = arith.constant 0 : i32
      %dma_start3A_345 = arith.constant 0 : i32
      %dma_start3A_346 = tpu.memref_slice %arg7[%run_scoped3A_224, %dma_start3A_344, %dma_start3A_345] : memref<3x32x1024xf32, #tpu.memory_space<vmem>> -> memref<1x32x1024xf32, #tpu.memory_space<vmem>>
      %dma_start3A_347 = tpu.memref_squeeze %dma_start3A_346 : memref<1x32x1024xf32, #tpu.memory_space<vmem>> -> memref<32x1024xf32, #tpu.memory_space<vmem>>
      %dma_start3A_348 = arith.constant 0 : i32
      %dma_start3A_349 = tpu.memref_slice %arg4[%add3A_223, %dma_start3A_348] : memref<8192x1024xf32, #tpu.memory_space<hbm>> -> memref<32x1024xf32, #tpu.memory_space<hbm>>
      %dma_start3A_350 = arith.constant 0 : i32
      %dma_start3A_351 = tpu.memref_slice %arg4[%add3A_223, %dma_start3A_350] : memref<8192x1024xf32, #tpu.memory_space<hbm>> -> memref<32x1024xf32, #tpu.memory_space<hbm>>
      %dma_start3A_352 = arith.constant 0 : i32
      %dma_start3A_353 = arith.constant 0 : i32
      %dma_start3A_354 = tpu.memref_slice %arg7[%run_scoped3A_224, %dma_start3A_352, %dma_start3A_353] : memref<3x32x1024xf32, #tpu.memory_space<vmem>> -> memref<1x32x1024xf32, #tpu.memory_space<vmem>>
      %dma_start3A_355 = tpu.memref_squeeze %dma_start3A_354 : memref<1x32x1024xf32, #tpu.memory_space<vmem>> -> memref<32x1024xf32, #tpu.memory_space<vmem>>
      tpu.enqueue_dma source(%dma_start3A_355 : memref<32x1024xf32, #tpu.memory_space<vmem>>) target(%dma_start3A_351 : memref<32x1024xf32, #tpu.memory_space<hbm>>) target_semaphore(%run_scoped3A_343 : memref<!tpu.dma_semaphore, #tpu.memory_space<semaphore_mem>>)
      %dma_wait3A_356 = arith.constant 0 : i32
      %dma_wait3A_357 = arith.constant 0 : i32
      %dma_wait3A_358 = tpu.memref_slice %arg7[%run_scoped3A_224, %dma_wait3A_356, %dma_wait3A_357] : memref<3x32x1024xf32, #tpu.memory_space<vmem>> -> memref<1x32x1024xf32, #tpu.memory_space<vmem>>
      %dma_wait3A_359 = tpu.memref_squeeze %dma_wait3A_358 : memref<1x32x1024xf32, #tpu.memory_space<vmem>> -> memref<32x1024xf32, #tpu.memory_space<vmem>>
      %dma_wait3A_360 = arith.constant 0 : i32
      %dma_wait3A_361 = tpu.memref_slice %arg4[%add3A_223, %dma_wait3A_360] : memref<8192x1024xf32, #tpu.memory_space<hbm>> -> memref<32x1024xf32, #tpu.memory_space<hbm>>
      %dma_wait3A_362 = arith.constant 0 : i32
      %dma_wait3A_363 = tpu.memref_slice %arg4[%add3A_223, %dma_wait3A_362] : memref<8192x1024xf32, #tpu.memory_space<hbm>> -> memref<32x1024xf32, #tpu.memory_space<hbm>>
      %dma_wait3A_364 = arith.constant 0 : i32
      %dma_wait3A_365 = arith.constant 0 : i32
      %dma_wait3A_366 = tpu.memref_slice %arg7[%run_scoped3A_224, %dma_wait3A_364, %dma_wait3A_365] : memref<3x32x1024xf32, #tpu.memory_space<vmem>> -> memref<1x32x1024xf32, #tpu.memory_space<vmem>>
      %dma_wait3A_367 = tpu.memref_squeeze %dma_wait3A_366 : memref<1x32x1024xf32, #tpu.memory_space<vmem>> -> memref<32x1024xf32, #tpu.memory_space<vmem>>
      tpu.wait_dma2 semaphore(%run_scoped3A_343 : memref<!tpu.dma_semaphore, #tpu.memory_space<semaphore_mem>>) src(%dma_wait3A_367 : memref<32x1024xf32, #tpu.memory_space<vmem>>) dst(%dma_wait3A_363 : memref<32x1024xf32, #tpu.memory_space<hbm>>)
      tpu.yield
    }) : () -> ()
    %dma_start3A_225 = arith.constant 1 : i32
    %dma_start3A_226 = arith.constant 0 : i32
    %dma_start3A_227 = arith.constant 0 : i32
    %dma_start3A_228 = tpu.memref_slice %arg7[%dma_start3A_225, %dma_start3A_226, %dma_start3A_227] : memref<3x32x1024xf32, #tpu.memory_space<vmem>> -> memref<1x32x1024xf32, #tpu.memory_space<vmem>>
    %dma_start3A_229 = tpu.memref_squeeze %dma_start3A_228 : memref<1x32x1024xf32, #tpu.memory_space<vmem>> -> memref<32x1024xf32, #tpu.memory_space<vmem>>
    %dma_start3A_230 = arith.constant 128 : i32
    %dma_start3A_231 = tpu.memref_slice %arg6[%dma_start3A_230] : memref<256xi32, #tpu.memory_space<vmem>> -> memref<32xi32, #tpu.memory_space<vmem>>
    %dma_start3A_232 = arith.constant 0 : i32
    %dma_start3A_233 = arith.constant 0 : i32
    %dma_start3A_234 = tpu.memref_slice %arg2[%dma_start3A_232, %dma_start3A_233] : memref<8192x1024xf32, #tpu.memory_space<hbm>> -> memref<8192x1024xf32, #tpu.memory_space<hbm>>
    tpu.enqueue_indirect_dma source(%dma_start3A_234 : memref<8192x1024xf32, #tpu.memory_space<hbm>>) target(%dma_start3A_229 : memref<32x1024xf32, #tpu.memory_space<vmem>>) offsets(%dma_start3A_231 : memref<32xi32, #tpu.memory_space<vmem>>) semaphore(%arg9 : memref<!tpu.dma_semaphore, #tpu.memory_space<semaphore_mem>>)
    %dma_wait3A_235 = arith.constant 2 : i32
    %dma_wait3A_236 = arith.constant 0 : i32
    %dma_wait3A_237 = arith.constant 0 : i32
    %dma_wait3A_238 = tpu.memref_slice %arg7[%dma_wait3A_235, %dma_wait3A_236, %dma_wait3A_237] : memref<3x32x1024xf32, #tpu.memory_space<vmem>> -> memref<1x32x1024xf32, #tpu.memory_space<vmem>>
    %dma_wait3A_239 = tpu.memref_squeeze %dma_wait3A_238 : memref<1x32x1024xf32, #tpu.memory_space<vmem>> -> memref<32x1024xf32, #tpu.memory_space<vmem>>
    %dma_wait3A_240 = arith.constant 64 : i32
    %dma_wait3A_241 = tpu.memref_slice %arg6[%dma_wait3A_240] : memref<256xi32, #tpu.memory_space<vmem>> -> memref<32xi32, #tpu.memory_space<vmem>>
    %dma_wait3A_242 = arith.constant 0 : i32
    %dma_wait3A_243 = arith.constant 0 : i32
    %dma_wait3A_244 = tpu.memref_slice %arg2[%dma_wait3A_242, %dma_wait3A_243] : memref<8192x1024xf32, #tpu.memory_space<hbm>> -> memref<8192x1024xf32, #tpu.memory_space<hbm>>
    tpu.wait_indirect_dma semaphore(%arg10 : memref<!tpu.dma_semaphore, #tpu.memory_space<semaphore_mem>>) src(%dma_wait3A_244 : memref<8192x1024xf32, #tpu.memory_space<hbm>>) dst(%dma_wait3A_239 : memref<32x1024xf32, #tpu.memory_space<vmem>>)
    %add3A_245 = arith.constant 64 : i32
    %add3A_246 = arith.addi %mul3A_2, %add3A_245 : i32
    %run_scoped3A_247 = arith.constant 2 : i32
    "tpu.region"() ({
      %run_scoped3A_343 = tpu.sem_alloc : memref<!tpu.dma_semaphore, #tpu.memory_space<semaphore_mem>>
      %dma_start3A_344 = arith.constant 0 : i32
      %dma_start3A_345 = arith.constant 0 : i32
      %dma_start3A_346 = tpu.memref_slice %arg7[%run_scoped3A_247, %dma_start3A_344, %dma_start3A_345] : memref<3x32x1024xf32, #tpu.memory_space<vmem>> -> memref<1x32x1024xf32, #tpu.memory_space<vmem>>
      %dma_start3A_347 = tpu.memref_squeeze %dma_start3A_346 : memref<1x32x1024xf32, #tpu.memory_space<vmem>> -> memref<32x1024xf32, #tpu.memory_space<vmem>>
      %dma_start3A_348 = arith.constant 0 : i32
      %dma_start3A_349 = tpu.memref_slice %arg4[%add3A_246, %dma_start3A_348] : memref<8192x1024xf32, #tpu.memory_space<hbm>> -> memref<32x1024xf32, #tpu.memory_space<hbm>>
      %dma_start3A_350 = arith.constant 0 : i32
      %dma_start3A_351 = tpu.memref_slice %arg4[%add3A_246, %dma_start3A_350] : memref<8192x1024xf32, #tpu.memory_space<hbm>> -> memref<32x1024xf32, #tpu.memory_space<hbm>>
      %dma_start3A_352 = arith.constant 0 : i32
      %dma_start3A_353 = arith.constant 0 : i32
      %dma_start3A_354 = tpu.memref_slice %arg7[%run_scoped3A_247, %dma_start3A_352, %dma_start3A_353] : memref<3x32x1024xf32, #tpu.memory_space<vmem>> -> memref<1x32x1024xf32, #tpu.memory_space<vmem>>
      %dma_start3A_355 = tpu.memref_squeeze %dma_start3A_354 : memref<1x32x1024xf32, #tpu.memory_space<vmem>> -> memref<32x1024xf32, #tpu.memory_space<vmem>>
      tpu.enqueue_dma source(%dma_start3A_355 : memref<32x1024xf32, #tpu.memory_space<vmem>>) target(%dma_start3A_351 : memref<32x1024xf32, #tpu.memory_space<hbm>>) target_semaphore(%run_scoped3A_343 : memref<!tpu.dma_semaphore, #tpu.memory_space<semaphore_mem>>)
      %dma_wait3A_356 = arith.constant 0 : i32
      %dma_wait3A_357 = arith.constant 0 : i32
      %dma_wait3A_358 = tpu.memref_slice %arg7[%run_scoped3A_247, %dma_wait3A_356, %dma_wait3A_357] : memref<3x32x1024xf32, #tpu.memory_space<vmem>> -> memref<1x32x1024xf32, #tpu.memory_space<vmem>>
      %dma_wait3A_359 = tpu.memref_squeeze %dma_wait3A_358 : memref<1x32x1024xf32, #tpu.memory_space<vmem>> -> memref<32x1024xf32, #tpu.memory_space<vmem>>
      %dma_wait3A_360 = arith.constant 0 : i32
      %dma_wait3A_361 = tpu.memref_slice %arg4[%add3A_246, %dma_wait3A_360] : memref<8192x1024xf32, #tpu.memory_space<hbm>> -> memref<32x1024xf32, #tpu.memory_space<hbm>>
      %dma_wait3A_362 = arith.constant 0 : i32
      %dma_wait3A_363 = tpu.memref_slice %arg4[%add3A_246, %dma_wait3A_362] : memref<8192x1024xf32, #tpu.memory_space<hbm>> -> memref<32x1024xf32, #tpu.memory_space<hbm>>
      %dma_wait3A_364 = arith.constant 0 : i32
      %dma_wait3A_365 = arith.constant 0 : i32
      %dma_wait3A_366 = tpu.memref_slice %arg7[%run_scoped3A_247, %dma_wait3A_364, %dma_wait3A_365] : memref<3x32x1024xf32, #tpu.memory_space<vmem>> -> memref<1x32x1024xf32, #tpu.memory_space<vmem>>
      %dma_wait3A_367 = tpu.memref_squeeze %dma_wait3A_366 : memref<1x32x1024xf32, #tpu.memory_space<vmem>> -> memref<32x1024xf32, #tpu.memory_space<vmem>>
      tpu.wait_dma2 semaphore(%run_scoped3A_343 : memref<!tpu.dma_semaphore, #tpu.memory_space<semaphore_mem>>) src(%dma_wait3A_367 : memref<32x1024xf32, #tpu.memory_space<vmem>>) dst(%dma_wait3A_363 : memref<32x1024xf32, #tpu.memory_space<hbm>>)
      tpu.yield
    }) : () -> ()
    %dma_start3A_248 = arith.constant 2 : i32
    %dma_start3A_249 = arith.constant 0 : i32
    %dma_start3A_250 = arith.constant 0 : i32
    %dma_start3A_251 = tpu.memref_slice %arg7[%dma_start3A_248, %dma_start3A_249, %dma_start3A_250] : memref<3x32x1024xf32, #tpu.memory_space<vmem>> -> memref<1x32x1024xf32, #tpu.memory_space<vmem>>
    %dma_start3A_252 = tpu.memref_squeeze %dma_start3A_251 : memref<1x32x1024xf32, #tpu.memory_space<vmem>> -> memref<32x1024xf32, #tpu.memory_space<vmem>>
    %dma_start3A_253 = arith.constant 160 : i32
    %dma_start3A_254 = tpu.memref_slice %arg6[%dma_start3A_253] : memref<256xi32, #tpu.memory_space<vmem>> -> memref<32xi32, #tpu.memory_space<vmem>>
    %dma_start3A_255 = arith.constant 0 : i32
    %dma_start3A_256 = arith.constant 0 : i32
    %dma_start3A_257 = tpu.memref_slice %arg2[%dma_start3A_255, %dma_start3A_256] : memref<8192x1024xf32, #tpu.memory_space<hbm>> -> memref<8192x1024xf32, #tpu.memory_space<hbm>>
    tpu.enqueue_indirect_dma source(%dma_start3A_257 : memref<8192x1024xf32, #tpu.memory_space<hbm>>) target(%dma_start3A_252 : memref<32x1024xf32, #tpu.memory_space<vmem>>) offsets(%dma_start3A_254 : memref<32xi32, #tpu.memory_space<vmem>>) semaphore(%arg10 : memref<!tpu.dma_semaphore, #tpu.memory_space<semaphore_mem>>)
    %dma_wait3A_258 = arith.constant 0 : i32
    %dma_wait3A_259 = arith.constant 0 : i32
    %dma_wait3A_260 = arith.constant 0 : i32
    %dma_wait3A_261 = tpu.memref_slice %arg7[%dma_wait3A_258, %dma_wait3A_259, %dma_wait3A_260] : memref<3x32x1024xf32, #tpu.memory_space<vmem>> -> memref<1x32x1024xf32, #tpu.memory_space<vmem>>
    %dma_wait3A_262 = tpu.memref_squeeze %dma_wait3A_261 : memref<1x32x1024xf32, #tpu.memory_space<vmem>> -> memref<32x1024xf32, #tpu.memory_space<vmem>>
    %dma_wait3A_263 = arith.constant 96 : i32
    %dma_wait3A_264 = tpu.memref_slice %arg6[%dma_wait3A_263] : memref<256xi32, #tpu.memory_space<vmem>> -> memref<32xi32, #tpu.memory_space<vmem>>
    %dma_wait3A_265 = arith.constant 0 : i32
    %dma_wait3A_266 = arith.constant 0 : i32
    %dma_wait3A_267 = tpu.memref_slice %arg2[%dma_wait3A_265, %dma_wait3A_266] : memref<8192x1024xf32, #tpu.memory_space<hbm>> -> memref<8192x1024xf32, #tpu.memory_space<hbm>>
    tpu.wait_indirect_dma semaphore(%arg8 : memref<!tpu.dma_semaphore, #tpu.memory_space<semaphore_mem>>) src(%dma_wait3A_267 : memref<8192x1024xf32, #tpu.memory_space<hbm>>) dst(%dma_wait3A_262 : memref<32x1024xf32, #tpu.memory_space<vmem>>)
    %add3A_268 = arith.constant 96 : i32
    %add3A_269 = arith.addi %mul3A_2, %add3A_268 : i32
    %run_scoped3A_270 = arith.constant 0 : i32
    "tpu.region"() ({
      %run_scoped3A_343 = tpu.sem_alloc : memref<!tpu.dma_semaphore, #tpu.memory_space<semaphore_mem>>
      %dma_start3A_344 = arith.constant 0 : i32
      %dma_start3A_345 = arith.constant 0 : i32
      %dma_start3A_346 = tpu.memref_slice %arg7[%run_scoped3A_270, %dma_start3A_344, %dma_start3A_345] : memref<3x32x1024xf32, #tpu.memory_space<vmem>> -> memref<1x32x1024xf32, #tpu.memory_space<vmem>>
      %dma_start3A_347 = tpu.memref_squeeze %dma_start3A_346 : memref<1x32x1024xf32, #tpu.memory_space<vmem>> -> memref<32x1024xf32, #tpu.memory_space<vmem>>
      %dma_start3A_348 = arith.constant 0 : i32
      %dma_start3A_349 = tpu.memref_slice %arg4[%add3A_269, %dma_start3A_348] : memref<8192x1024xf32, #tpu.memory_space<hbm>> -> memref<32x1024xf32, #tpu.memory_space<hbm>>
      %dma_start3A_350 = arith.constant 0 : i32
      %dma_start3A_351 = tpu.memref_slice %arg4[%add3A_269, %dma_start3A_350] : memref<8192x1024xf32, #tpu.memory_space<hbm>> -> memref<32x1024xf32, #tpu.memory_space<hbm>>
      %dma_start3A_352 = arith.constant 0 : i32
      %dma_start3A_353 = arith.constant 0 : i32
      %dma_start3A_354 = tpu.memref_slice %arg7[%run_scoped3A_270, %dma_start3A_352, %dma_start3A_353] : memref<3x32x1024xf32, #tpu.memory_space<vmem>> -> memref<1x32x1024xf32, #tpu.memory_space<vmem>>
      %dma_start3A_355 = tpu.memref_squeeze %dma_start3A_354 : memref<1x32x1024xf32, #tpu.memory_space<vmem>> -> memref<32x1024xf32, #tpu.memory_space<vmem>>
      tpu.enqueue_dma source(%dma_start3A_355 : memref<32x1024xf32, #tpu.memory_space<vmem>>) target(%dma_start3A_351 : memref<32x1024xf32, #tpu.memory_space<hbm>>) target_semaphore(%run_scoped3A_343 : memref<!tpu.dma_semaphore, #tpu.memory_space<semaphore_mem>>)
      %dma_wait3A_356 = arith.constant 0 : i32
      %dma_wait3A_357 = arith.constant 0 : i32
      %dma_wait3A_358 = tpu.memref_slice %arg7[%run_scoped3A_270, %dma_wait3A_356, %dma_wait3A_357] : memref<3x32x1024xf32, #tpu.memory_space<vmem>> -> memref<1x32x1024xf32, #tpu.memory_space<vmem>>
      %dma_wait3A_359 = tpu.memref_squeeze %dma_wait3A_358 : memref<1x32x1024xf32, #tpu.memory_space<vmem>> -> memref<32x1024xf32, #tpu.memory_space<vmem>>
      %dma_wait3A_360 = arith.constant 0 : i32
      %dma_wait3A_361 = tpu.memref_slice %arg4[%add3A_269, %dma_wait3A_360] : memref<8192x1024xf32, #tpu.memory_space<hbm>> -> memref<32x1024xf32, #tpu.memory_space<hbm>>
      %dma_wait3A_362 = arith.constant 0 : i32
      %dma_wait3A_363 = tpu.memref_slice %arg4[%add3A_269, %dma_wait3A_362] : memref<8192x1024xf32, #tpu.memory_space<hbm>> -> memref<32x1024xf32, #tpu.memory_space<hbm>>
      %dma_wait3A_364 = arith.constant 0 : i32
      %dma_wait3A_365 = arith.constant 0 : i32
      %dma_wait3A_366 = tpu.memref_slice %arg7[%run_scoped3A_270, %dma_wait3A_364, %dma_wait3A_365] : memref<3x32x1024xf32, #tpu.memory_space<vmem>> -> memref<1x32x1024xf32, #tpu.memory_space<vmem>>
      %dma_wait3A_367 = tpu.memref_squeeze %dma_wait3A_366 : memref<1x32x1024xf32, #tpu.memory_space<vmem>> -> memref<32x1024xf32, #tpu.memory_space<vmem>>
      tpu.wait_dma2 semaphore(%run_scoped3A_343 : memref<!tpu.dma_semaphore, #tpu.memory_space<semaphore_mem>>) src(%dma_wait3A_367 : memref<32x1024xf32, #tpu.memory_space<vmem>>) dst(%dma_wait3A_363 : memref<32x1024xf32, #tpu.memory_space<hbm>>)
      tpu.yield
    }) : () -> ()
    %dma_start3A_271 = arith.constant 0 : i32
    %dma_start3A_272 = arith.constant 0 : i32
    %dma_start3A_273 = arith.constant 0 : i32
    %dma_start3A_274 = tpu.memref_slice %arg7[%dma_start3A_271, %dma_start3A_272, %dma_start3A_273] : memref<3x32x1024xf32, #tpu.memory_space<vmem>> -> memref<1x32x1024xf32, #tpu.memory_space<vmem>>
    %dma_start3A_275 = tpu.memref_squeeze %dma_start3A_274 : memref<1x32x1024xf32, #tpu.memory_space<vmem>> -> memref<32x1024xf32, #tpu.memory_space<vmem>>
    %dma_start3A_276 = arith.constant 192 : i32
    %dma_start3A_277 = tpu.memref_slice %arg6[%dma_start3A_276] : memref<256xi32, #tpu.memory_space<vmem>> -> memref<32xi32, #tpu.memory_space<vmem>>
    %dma_start3A_278 = arith.constant 0 : i32
    %dma_start3A_279 = arith.constant 0 : i32
    %dma_start3A_280 = tpu.memref_slice %arg2[%dma_start3A_278, %dma_start3A_279] : memref<8192x1024xf32, #tpu.memory_space<hbm>> -> memref<8192x1024xf32, #tpu.memory_space<hbm>>
    tpu.enqueue_indirect_dma source(%dma_start3A_280 : memref<8192x1024xf32, #tpu.memory_space<hbm>>) target(%dma_start3A_275 : memref<32x1024xf32, #tpu.memory_space<vmem>>) offsets(%dma_start3A_277 : memref<32xi32, #tpu.memory_space<vmem>>) semaphore(%arg8 : memref<!tpu.dma_semaphore, #tpu.memory_space<semaphore_mem>>)
    %dma_wait3A_281 = arith.constant 1 : i32
    %dma_wait3A_282 = arith.constant 0 : i32
    %dma_wait3A_283 = arith.constant 0 : i32
    %dma_wait3A_284 = tpu.memref_slice %arg7[%dma_wait3A_281, %dma_wait3A_282, %dma_wait3A_283] : memref<3x32x1024xf32, #tpu.memory_space<vmem>> -> memref<1x32x1024xf32, #tpu.memory_space<vmem>>
    %dma_wait3A_285 = tpu.memref_squeeze %dma_wait3A_284 : memref<1x32x1024xf32, #tpu.memory_space<vmem>> -> memref<32x1024xf32, #tpu.memory_space<vmem>>
    %dma_wait3A_286 = arith.constant 128 : i32
    %dma_wait3A_287 = tpu.memref_slice %arg6[%dma_wait3A_286] : memref<256xi32, #tpu.memory_space<vmem>> -> memref<32xi32, #tpu.memory_space<vmem>>
    %dma_wait3A_288 = arith.constant 0 : i32
    %dma_wait3A_289 = arith.constant 0 : i32
    %dma_wait3A_290 = tpu.memref_slice %arg2[%dma_wait3A_288, %dma_wait3A_289] : memref<8192x1024xf32, #tpu.memory_space<hbm>> -> memref<8192x1024xf32, #tpu.memory_space<hbm>>
    tpu.wait_indirect_dma semaphore(%arg9 : memref<!tpu.dma_semaphore, #tpu.memory_space<semaphore_mem>>) src(%dma_wait3A_290 : memref<8192x1024xf32, #tpu.memory_space<hbm>>) dst(%dma_wait3A_285 : memref<32x1024xf32, #tpu.memory_space<vmem>>)
    %add3A_291 = arith.constant 128 : i32
    %add3A_292 = arith.addi %mul3A_2, %add3A_291 : i32
    %run_scoped3A_293 = arith.constant 1 : i32
    "tpu.region"() ({
      %run_scoped3A_343 = tpu.sem_alloc : memref<!tpu.dma_semaphore, #tpu.memory_space<semaphore_mem>>
      %dma_start3A_344 = arith.constant 0 : i32
      %dma_start3A_345 = arith.constant 0 : i32
      %dma_start3A_346 = tpu.memref_slice %arg7[%run_scoped3A_293, %dma_start3A_344, %dma_start3A_345] : memref<3x32x1024xf32, #tpu.memory_space<vmem>> -> memref<1x32x1024xf32, #tpu.memory_space<vmem>>
      %dma_start3A_347 = tpu.memref_squeeze %dma_start3A_346 : memref<1x32x1024xf32, #tpu.memory_space<vmem>> -> memref<32x1024xf32, #tpu.memory_space<vmem>>
      %dma_start3A_348 = arith.constant 0 : i32
      %dma_start3A_349 = tpu.memref_slice %arg4[%add3A_292, %dma_start3A_348] : memref<8192x1024xf32, #tpu.memory_space<hbm>> -> memref<32x1024xf32, #tpu.memory_space<hbm>>
      %dma_start3A_350 = arith.constant 0 : i32
      %dma_start3A_351 = tpu.memref_slice %arg4[%add3A_292, %dma_start3A_350] : memref<8192x1024xf32, #tpu.memory_space<hbm>> -> memref<32x1024xf32, #tpu.memory_space<hbm>>
      %dma_start3A_352 = arith.constant 0 : i32
      %dma_start3A_353 = arith.constant 0 : i32
      %dma_start3A_354 = tpu.memref_slice %arg7[%run_scoped3A_293, %dma_start3A_352, %dma_start3A_353] : memref<3x32x1024xf32, #tpu.memory_space<vmem>> -> memref<1x32x1024xf32, #tpu.memory_space<vmem>>
      %dma_start3A_355 = tpu.memref_squeeze %dma_start3A_354 : memref<1x32x1024xf32, #tpu.memory_space<vmem>> -> memref<32x1024xf32, #tpu.memory_space<vmem>>
      tpu.enqueue_dma source(%dma_start3A_355 : memref<32x1024xf32, #tpu.memory_space<vmem>>) target(%dma_start3A_351 : memref<32x1024xf32, #tpu.memory_space<hbm>>) target_semaphore(%run_scoped3A_343 : memref<!tpu.dma_semaphore, #tpu.memory_space<semaphore_mem>>)
      %dma_wait3A_356 = arith.constant 0 : i32
      %dma_wait3A_357 = arith.constant 0 : i32
      %dma_wait3A_358 = tpu.memref_slice %arg7[%run_scoped3A_293, %dma_wait3A_356, %dma_wait3A_357] : memref<3x32x1024xf32, #tpu.memory_space<vmem>> -> memref<1x32x1024xf32, #tpu.memory_space<vmem>>
      %dma_wait3A_359 = tpu.memref_squeeze %dma_wait3A_358 : memref<1x32x1024xf32, #tpu.memory_space<vmem>> -> memref<32x1024xf32, #tpu.memory_space<vmem>>
      %dma_wait3A_360 = arith.constant 0 : i32
      %dma_wait3A_361 = tpu.memref_slice %arg4[%add3A_292, %dma_wait3A_360] : memref<8192x1024xf32, #tpu.memory_space<hbm>> -> memref<32x1024xf32, #tpu.memory_space<hbm>>
      %dma_wait3A_362 = arith.constant 0 : i32
      %dma_wait3A_363 = tpu.memref_slice %arg4[%add3A_292, %dma_wait3A_362] : memref<8192x1024xf32, #tpu.memory_space<hbm>> -> memref<32x1024xf32, #tpu.memory_space<hbm>>
      %dma_wait3A_364 = arith.constant 0 : i32
      %dma_wait3A_365 = arith.constant 0 : i32
      %dma_wait3A_366 = tpu.memref_slice %arg7[%run_scoped3A_293, %dma_wait3A_364, %dma_wait3A_365] : memref<3x32x1024xf32, #tpu.memory_space<vmem>> -> memref<1x32x1024xf32, #tpu.memory_space<vmem>>
      %dma_wait3A_367 = tpu.memref_squeeze %dma_wait3A_366 : memref<1x32x1024xf32, #tpu.memory_space<vmem>> -> memref<32x1024xf32, #tpu.memory_space<vmem>>
      tpu.wait_dma2 semaphore(%run_scoped3A_343 : memref<!tpu.dma_semaphore, #tpu.memory_space<semaphore_mem>>) src(%dma_wait3A_367 : memref<32x1024xf32, #tpu.memory_space<vmem>>) dst(%dma_wait3A_363 : memref<32x1024xf32, #tpu.memory_space<hbm>>)
      tpu.yield
    }) : () -> ()
    %dma_start3A_294 = arith.constant 1 : i32
    %dma_start3A_295 = arith.constant 0 : i32
    %dma_start3A_296 = arith.constant 0 : i32
    %dma_start3A_297 = tpu.memref_slice %arg7[%dma_start3A_294, %dma_start3A_295, %dma_start3A_296] : memref<3x32x1024xf32, #tpu.memory_space<vmem>> -> memref<1x32x1024xf32, #tpu.memory_space<vmem>>
    %dma_start3A_298 = tpu.memref_squeeze %dma_start3A_297 : memref<1x32x1024xf32, #tpu.memory_space<vmem>> -> memref<32x1024xf32, #tpu.memory_space<vmem>>
    %dma_start3A_299 = arith.constant 224 : i32
    %dma_start3A_300 = tpu.memref_slice %arg6[%dma_start3A_299] : memref<256xi32, #tpu.memory_space<vmem>> -> memref<32xi32, #tpu.memory_space<vmem>>
    %dma_start3A_301 = arith.constant 0 : i32
    %dma_start3A_302 = arith.constant 0 : i32
    %dma_start3A_303 = tpu.memref_slice %arg2[%dma_start3A_301, %dma_start3A_302] : memref<8192x1024xf32, #tpu.memory_space<hbm>> -> memref<8192x1024xf32, #tpu.memory_space<hbm>>
    tpu.enqueue_indirect_dma source(%dma_start3A_303 : memref<8192x1024xf32, #tpu.memory_space<hbm>>) target(%dma_start3A_298 : memref<32x1024xf32, #tpu.memory_space<vmem>>) offsets(%dma_start3A_300 : memref<32xi32, #tpu.memory_space<vmem>>) semaphore(%arg9 : memref<!tpu.dma_semaphore, #tpu.memory_space<semaphore_mem>>)
    %dma_wait3A_304 = arith.constant 2 : i32
    %dma_wait3A_305 = arith.constant 0 : i32
    %dma_wait3A_306 = arith.constant 0 : i32
    %dma_wait3A_307 = tpu.memref_slice %arg7[%dma_wait3A_304, %dma_wait3A_305, %dma_wait3A_306] : memref<3x32x1024xf32, #tpu.memory_space<vmem>> -> memref<1x32x1024xf32, #tpu.memory_space<vmem>>
    %dma_wait3A_308 = tpu.memref_squeeze %dma_wait3A_307 : memref<1x32x1024xf32, #tpu.memory_space<vmem>> -> memref<32x1024xf32, #tpu.memory_space<vmem>>
    %dma_wait3A_309 = arith.constant 160 : i32
    %dma_wait3A_310 = tpu.memref_slice %arg6[%dma_wait3A_309] : memref<256xi32, #tpu.memory_space<vmem>> -> memref<32xi32, #tpu.memory_space<vmem>>
    %dma_wait3A_311 = arith.constant 0 : i32
    %dma_wait3A_312 = arith.constant 0 : i32
    %dma_wait3A_313 = tpu.memref_slice %arg2[%dma_wait3A_311, %dma_wait3A_312] : memref<8192x1024xf32, #tpu.memory_space<hbm>> -> memref<8192x1024xf32, #tpu.memory_space<hbm>>
    tpu.wait_indirect_dma semaphore(%arg10 : memref<!tpu.dma_semaphore, #tpu.memory_space<semaphore_mem>>) src(%dma_wait3A_313 : memref<8192x1024xf32, #tpu.memory_space<hbm>>) dst(%dma_wait3A_308 : memref<32x1024xf32, #tpu.memory_space<vmem>>)
    %add3A_314 = arith.constant 160 : i32
    %add3A_315 = arith.addi %mul3A_2, %add3A_314 : i32
    %run_scoped3A_316 = arith.constant 2 : i32
    "tpu.region"() ({
      %run_scoped3A_343 = tpu.sem_alloc : memref<!tpu.dma_semaphore, #tpu.memory_space<semaphore_mem>>
      %dma_start3A_344 = arith.constant 0 : i32
      %dma_start3A_345 = arith.constant 0 : i32
      %dma_start3A_346 = tpu.memref_slice %arg7[%run_scoped3A_316, %dma_start3A_344, %dma_start3A_345] : memref<3x32x1024xf32, #tpu.memory_space<vmem>> -> memref<1x32x1024xf32, #tpu.memory_space<vmem>>
      %dma_start3A_347 = tpu.memref_squeeze %dma_start3A_346 : memref<1x32x1024xf32, #tpu.memory_space<vmem>> -> memref<32x1024xf32, #tpu.memory_space<vmem>>
      %dma_start3A_348 = arith.constant 0 : i32
      %dma_start3A_349 = tpu.memref_slice %arg4[%add3A_315, %dma_start3A_348] : memref<8192x1024xf32, #tpu.memory_space<hbm>> -> memref<32x1024xf32, #tpu.memory_space<hbm>>
      %dma_start3A_350 = arith.constant 0 : i32
      %dma_start3A_351 = tpu.memref_slice %arg4[%add3A_315, %dma_start3A_350] : memref<8192x1024xf32, #tpu.memory_space<hbm>> -> memref<32x1024xf32, #tpu.memory_space<hbm>>
      %dma_start3A_352 = arith.constant 0 : i32
      %dma_start3A_353 = arith.constant 0 : i32
      %dma_start3A_354 = tpu.memref_slice %arg7[%run_scoped3A_316, %dma_start3A_352, %dma_start3A_353] : memref<3x32x1024xf32, #tpu.memory_space<vmem>> -> memref<1x32x1024xf32, #tpu.memory_space<vmem>>
      %dma_start3A_355 = tpu.memref_squeeze %dma_start3A_354 : memref<1x32x1024xf32, #tpu.memory_space<vmem>> -> memref<32x1024xf32, #tpu.memory_space<vmem>>
      tpu.enqueue_dma source(%dma_start3A_355 : memref<32x1024xf32, #tpu.memory_space<vmem>>) target(%dma_start3A_351 : memref<32x1024xf32, #tpu.memory_space<hbm>>) target_semaphore(%run_scoped3A_343 : memref<!tpu.dma_semaphore, #tpu.memory_space<semaphore_mem>>)
      %dma_wait3A_356 = arith.constant 0 : i32
      %dma_wait3A_357 = arith.constant 0 : i32
      %dma_wait3A_358 = tpu.memref_slice %arg7[%run_scoped3A_316, %dma_wait3A_356, %dma_wait3A_357] : memref<3x32x1024xf32, #tpu.memory_space<vmem>> -> memref<1x32x1024xf32, #tpu.memory_space<vmem>>
      %dma_wait3A_359 = tpu.memref_squeeze %dma_wait3A_358 : memref<1x32x1024xf32, #tpu.memory_space<vmem>> -> memref<32x1024xf32, #tpu.memory_space<vmem>>
      %dma_wait3A_360 = arith.constant 0 : i32
      %dma_wait3A_361 = tpu.memref_slice %arg4[%add3A_315, %dma_wait3A_360] : memref<8192x1024xf32, #tpu.memory_space<hbm>> -> memref<32x1024xf32, #tpu.memory_space<hbm>>
      %dma_wait3A_362 = arith.constant 0 : i32
      %dma_wait3A_363 = tpu.memref_slice %arg4[%add3A_315, %dma_wait3A_362] : memref<8192x1024xf32, #tpu.memory_space<hbm>> -> memref<32x1024xf32, #tpu.memory_space<hbm>>
      %dma_wait3A_364 = arith.constant 0 : i32
      %dma_wait3A_365 = arith.constant 0 : i32
      %dma_wait3A_366 = tpu.memref_slice %arg7[%run_scoped3A_316, %dma_wait3A_364, %dma_wait3A_365] : memref<3x32x1024xf32, #tpu.memory_space<vmem>> -> memref<1x32x1024xf32, #tpu.memory_space<vmem>>
      %dma_wait3A_367 = tpu.memref_squeeze %dma_wait3A_366 : memref<1x32x1024xf32, #tpu.memory_space<vmem>> -> memref<32x1024xf32, #tpu.memory_space<vmem>>
      tpu.wait_dma2 semaphore(%run_scoped3A_343 : memref<!tpu.dma_semaphore, #tpu.memory_space<semaphore_mem>>) src(%dma_wait3A_367 : memref<32x1024xf32, #tpu.memory_space<vmem>>) dst(%dma_wait3A_363 : memref<32x1024xf32, #tpu.memory_space<hbm>>)
      tpu.yield
    }) : () -> ()
    %dma_wait3A_317 = arith.constant 0 : i32
    %dma_wait3A_318 = arith.constant 0 : i32
    %dma_wait3A_319 = arith.constant 0 : i32
    %dma_wait3A_320 = tpu.memref_slice %arg7[%dma_wait3A_317, %dma_wait3A_318, %dma_wait3A_319] : memref<3x32x1024xf32, #tpu.memory_space<vmem>> -> memref<1x32x1024xf32, #tpu.memory_space<vmem>>
    %dma_wait3A_321 = tpu.memref_squeeze %dma_wait3A_320 : memref<1x32x1024xf32, #tpu.memory_space<vmem>> -> memref<32x1024xf32, #tpu.memory_space<vmem>>
    %dma_wait3A_322 = arith.constant 192 : i32
    %dma_wait3A_323 = tpu.memref_slice %arg6[%dma_wait3A_322] : memref<256xi32, #tpu.memory_space<vmem>> -> memref<32xi32, #tpu.memory_space<vmem>>
    %dma_wait3A_324 = arith.constant 0 : i32
    %dma_wait3A_325 = arith.constant 0 : i32
    %dma_wait3A_326 = tpu.memref_slice %arg2[%dma_wait3A_324, %dma_wait3A_325] : memref<8192x1024xf32, #tpu.memory_space<hbm>> -> memref<8192x1024xf32, #tpu.memory_space<hbm>>
    tpu.wait_indirect_dma semaphore(%arg8 : memref<!tpu.dma_semaphore, #tpu.memory_space<semaphore_mem>>) src(%dma_wait3A_326 : memref<8192x1024xf32, #tpu.memory_space<hbm>>) dst(%dma_wait3A_321 : memref<32x1024xf32, #tpu.memory_space<vmem>>)
    %add3A_327 = arith.constant 192 : i32
    %add3A_328 = arith.addi %mul3A_2, %add3A_327 : i32
    %run_scoped3A_329 = arith.constant 0 : i32
    "tpu.region"() ({
      %run_scoped3A_343 = tpu.sem_alloc : memref<!tpu.dma_semaphore, #tpu.memory_space<semaphore_mem>>
      %dma_start3A_344 = arith.constant 0 : i32
      %dma_start3A_345 = arith.constant 0 : i32
      %dma_start3A_346 = tpu.memref_slice %arg7[%run_scoped3A_329, %dma_start3A_344, %dma_start3A_345] : memref<3x32x1024xf32, #tpu.memory_space<vmem>> -> memref<1x32x1024xf32, #tpu.memory_space<vmem>>
      %dma_start3A_347 = tpu.memref_squeeze %dma_start3A_346 : memref<1x32x1024xf32, #tpu.memory_space<vmem>> -> memref<32x1024xf32, #tpu.memory_space<vmem>>
      %dma_start3A_348 = arith.constant 0 : i32
      %dma_start3A_349 = tpu.memref_slice %arg4[%add3A_328, %dma_start3A_348] : memref<8192x1024xf32, #tpu.memory_space<hbm>> -> memref<32x1024xf32, #tpu.memory_space<hbm>>
      %dma_start3A_350 = arith.constant 0 : i32
      %dma_start3A_351 = tpu.memref_slice %arg4[%add3A_328, %dma_start3A_350] : memref<8192x1024xf32, #tpu.memory_space<hbm>> -> memref<32x1024xf32, #tpu.memory_space<hbm>>
      %dma_start3A_352 = arith.constant 0 : i32
      %dma_start3A_353 = arith.constant 0 : i32
      %dma_start3A_354 = tpu.memref_slice %arg7[%run_scoped3A_329, %dma_start3A_352, %dma_start3A_353] : memref<3x32x1024xf32, #tpu.memory_space<vmem>> -> memref<1x32x1024xf32, #tpu.memory_space<vmem>>
      %dma_start3A_355 = tpu.memref_squeeze %dma_start3A_354 : memref<1x32x1024xf32, #tpu.memory_space<vmem>> -> memref<32x1024xf32, #tpu.memory_space<vmem>>
      tpu.enqueue_dma source(%dma_start3A_355 : memref<32x1024xf32, #tpu.memory_space<vmem>>) target(%dma_start3A_351 : memref<32x1024xf32, #tpu.memory_space<hbm>>) target_semaphore(%run_scoped3A_343 : memref<!tpu.dma_semaphore, #tpu.memory_space<semaphore_mem>>)
      %dma_wait3A_356 = arith.constant 0 : i32
      %dma_wait3A_357 = arith.constant 0 : i32
      %dma_wait3A_358 = tpu.memref_slice %arg7[%run_scoped3A_329, %dma_wait3A_356, %dma_wait3A_357] : memref<3x32x1024xf32, #tpu.memory_space<vmem>> -> memref<1x32x1024xf32, #tpu.memory_space<vmem>>
      %dma_wait3A_359 = tpu.memref_squeeze %dma_wait3A_358 : memref<1x32x1024xf32, #tpu.memory_space<vmem>> -> memref<32x1024xf32, #tpu.memory_space<vmem>>
      %dma_wait3A_360 = arith.constant 0 : i32
      %dma_wait3A_361 = tpu.memref_slice %arg4[%add3A_328, %dma_wait3A_360] : memref<8192x1024xf32, #tpu.memory_space<hbm>> -> memref<32x1024xf32, #tpu.memory_space<hbm>>
      %dma_wait3A_362 = arith.constant 0 : i32
      %dma_wait3A_363 = tpu.memref_slice %arg4[%add3A_328, %dma_wait3A_362] : memref<8192x1024xf32, #tpu.memory_space<hbm>> -> memref<32x1024xf32, #tpu.memory_space<hbm>>
      %dma_wait3A_364 = arith.constant 0 : i32
      %dma_wait3A_365 = arith.constant 0 : i32
      %dma_wait3A_366 = tpu.memref_slice %arg7[%run_scoped3A_329, %dma_wait3A_364, %dma_wait3A_365] : memref<3x32x1024xf32, #tpu.memory_space<vmem>> -> memref<1x32x1024xf32, #tpu.memory_space<vmem>>
      %dma_wait3A_367 = tpu.memref_squeeze %dma_wait3A_366 : memref<1x32x1024xf32, #tpu.memory_space<vmem>> -> memref<32x1024xf32, #tpu.memory_space<vmem>>
      tpu.wait_dma2 semaphore(%run_scoped3A_343 : memref<!tpu.dma_semaphore, #tpu.memory_space<semaphore_mem>>) src(%dma_wait3A_367 : memref<32x1024xf32, #tpu.memory_space<vmem>>) dst(%dma_wait3A_363 : memref<32x1024xf32, #tpu.memory_space<hbm>>)
      tpu.yield
    }) : () -> ()
    %dma_wait3A_330 = arith.constant 1 : i32
    %dma_wait3A_331 = arith.constant 0 : i32
    %dma_wait3A_332 = arith.constant 0 : i32
    %dma_wait3A_333 = tpu.memref_slice %arg7[%dma_wait3A_330, %dma_wait3A_331, %dma_wait3A_332] : memref<3x32x1024xf32, #tpu.memory_space<vmem>> -> memref<1x32x1024xf32, #tpu.memory_space<vmem>>
    %dma_wait3A_334 = tpu.memref_squeeze %dma_wait3A_333 : memref<1x32x1024xf32, #tpu.memory_space<vmem>> -> memref<32x1024xf32, #tpu.memory_space<vmem>>
    %dma_wait3A_335 = arith.constant 224 : i32
    %dma_wait3A_336 = tpu.memref_slice %arg6[%dma_wait3A_335] : memref<256xi32, #tpu.memory_space<vmem>> -> memref<32xi32, #tpu.memory_space<vmem>>
    %dma_wait3A_337 = arith.constant 0 : i32
    %dma_wait3A_338 = arith.constant 0 : i32
    %dma_wait3A_339 = tpu.memref_slice %arg2[%dma_wait3A_337, %dma_wait3A_338] : memref<8192x1024xf32, #tpu.memory_space<hbm>> -> memref<8192x1024xf32, #tpu.memory_space<hbm>>
    tpu.wait_indirect_dma semaphore(%arg9 : memref<!tpu.dma_semaphore, #tpu.memory_space<semaphore_mem>>) src(%dma_wait3A_339 : memref<8192x1024xf32, #tpu.memory_space<hbm>>) dst(%dma_wait3A_334 : memref<32x1024xf32, #tpu.memory_space<vmem>>)
    %add3A_340 = arith.constant 224 : i32
    %add3A_341 = arith.addi %mul3A_2, %add3A_340 : i32
    %run_scoped3A_342 = arith.constant 1 : i32
    "tpu.region"() ({
      %run_scoped3A_343 = tpu.sem_alloc : memref<!tpu.dma_semaphore, #tpu.memory_space<semaphore_mem>>
      %dma_start3A_344 = arith.constant 0 : i32
      %dma_start3A_345 = arith.constant 0 : i32
      %dma_start3A_346 = tpu.memref_slice %arg7[%run_scoped3A_342, %dma_start3A_344, %dma_start3A_345] : memref<3x32x1024xf32, #tpu.memory_space<vmem>> -> memref<1x32x1024xf32, #tpu.memory_space<vmem>>
      %dma_start3A_347 = tpu.memref_squeeze %dma_start3A_346 : memref<1x32x1024xf32, #tpu.memory_space<vmem>> -> memref<32x1024xf32, #tpu.memory_space<vmem>>
      %dma_start3A_348 = arith.constant 0 : i32
      %dma_start3A_349 = tpu.memref_slice %arg4[%add3A_341, %dma_start3A_348] : memref<8192x1024xf32, #tpu.memory_space<hbm>> -> memref<32x1024xf32, #tpu.memory_space<hbm>>
      %dma_start3A_350 = arith.constant 0 : i32
      %dma_start3A_351 = tpu.memref_slice %arg4[%add3A_341, %dma_start3A_350] : memref<8192x1024xf32, #tpu.memory_space<hbm>> -> memref<32x1024xf32, #tpu.memory_space<hbm>>
      %dma_start3A_352 = arith.constant 0 : i32
      %dma_start3A_353 = arith.constant 0 : i32
      %dma_start3A_354 = tpu.memref_slice %arg7[%run_scoped3A_342, %dma_start3A_352, %dma_start3A_353] : memref<3x32x1024xf32, #tpu.memory_space<vmem>> -> memref<1x32x1024xf32, #tpu.memory_space<vmem>>
      %dma_start3A_355 = tpu.memref_squeeze %dma_start3A_354 : memref<1x32x1024xf32, #tpu.memory_space<vmem>> -> memref<32x1024xf32, #tpu.memory_space<vmem>>
      tpu.enqueue_dma source(%dma_start3A_355 : memref<32x1024xf32, #tpu.memory_space<vmem>>) target(%dma_start3A_351 : memref<32x1024xf32, #tpu.memory_space<hbm>>) target_semaphore(%run_scoped3A_343 : memref<!tpu.dma_semaphore, #tpu.memory_space<semaphore_mem>>)
      %dma_wait3A_356 = arith.constant 0 : i32
      %dma_wait3A_357 = arith.constant 0 : i32
      %dma_wait3A_358 = tpu.memref_slice %arg7[%run_scoped3A_342, %dma_wait3A_356, %dma_wait3A_357] : memref<3x32x1024xf32, #tpu.memory_space<vmem>> -> memref<1x32x1024xf32, #tpu.memory_space<vmem>>
      %dma_wait3A_359 = tpu.memref_squeeze %dma_wait3A_358 : memref<1x32x1024xf32, #tpu.memory_space<vmem>> -> memref<32x1024xf32, #tpu.memory_space<vmem>>
      %dma_wait3A_360 = arith.constant 0 : i32
      %dma_wait3A_361 = tpu.memref_slice %arg4[%add3A_341, %dma_wait3A_360] : memref<8192x1024xf32, #tpu.memory_space<hbm>> -> memref<32x1024xf32, #tpu.memory_space<hbm>>
      %dma_wait3A_362 = arith.constant 0 : i32
      %dma_wait3A_363 = tpu.memref_slice %arg4[%add3A_341, %dma_wait3A_362] : memref<8192x1024xf32, #tpu.memory_space<hbm>> -> memref<32x1024xf32, #tpu.memory_space<hbm>>
      %dma_wait3A_364 = arith.constant 0 : i32
      %dma_wait3A_365 = arith.constant 0 : i32
      %dma_wait3A_366 = tpu.memref_slice %arg7[%run_scoped3A_342, %dma_wait3A_364, %dma_wait3A_365] : memref<3x32x1024xf32, #tpu.memory_space<vmem>> -> memref<1x32x1024xf32, #tpu.memory_space<vmem>>
      %dma_wait3A_367 = tpu.memref_squeeze %dma_wait3A_366 : memref<1x32x1024xf32, #tpu.memory_space<vmem>> -> memref<32x1024xf32, #tpu.memory_space<vmem>>
      tpu.wait_dma2 semaphore(%run_scoped3A_343 : memref<!tpu.dma_semaphore, #tpu.memory_space<semaphore_mem>>) src(%dma_wait3A_367 : memref<32x1024xf32, #tpu.memory_space<vmem>>) dst(%dma_wait3A_363 : memref<32x1024xf32, #tpu.memory_space<hbm>>)
      tpu.yield
    }) : () -> ()
    return
  }
}

</mosaic_0001>

<sc_bundles>
// kernel: _lookup.3.cloned.1.call-start
scs
__scs_entry_jumppad:
0x0: {  	(pc) =	sbr.rel $0x88, $3  }
0x1: {  	(tag) =	ssettag $0x0;
	lr =	simm.s32 $0x1  }
0x2: {  	[smem:$0x3F9F] =	sst lr;
	_ =	strace $0xD0000000  }
0x3: {  	_ = 	snop  }
0x4: {  	_ = 	snop  }
0x5: {  	_ = 	snop  }
0x6: {  	_ = 	snop  }
0x7: {  	_ = 	snop  }
__scs_overlays_trampoline_lowered:
0x8: {  	[smem:$0x3FAE] =	sst s0  }
0x9: {  	[smem:$0x3FAF] =	sst s1  }
0xa: {  	[smem:$0x3FB0] =	sst s2  }
0xb: {  	[smem:$0x3FB1] =	sst s3  }
0xc: {  	[smem:$0x3FB2] =	sst s4  }
0xd: {  	[smem:$0x3FB3] =	sst s5  }
0xe: {  	[smem:$0x3FB4] =	sst s6  }
0xf: {  	[smem:$0x3FB5] =	sst s7  }
0x10: {  	[smem:$0x3FB6] =	sst s8  }
0x11: {  	[smem:$0x3FB7] =	sst s9;
	s0 =	simm.s32 @!p0 $0x0  }
0x12: {  	s1 =	sld [smem:$0x3F9D];
	s0 =	simm.s32 @p0 $0x1  }
0x13: {  	[smem:$0x3FB8] =	sst s0;
	s0 =	simm.s32 @!p1 $0x0  }
0x14: {  	s2 =	sld [smem:$0x3F9C];
	s0 =	simm.s32 @p1 $0x1  }
0x15: {  	[smem:$0x3FB9] =	sst s0;
	s0 =	simm.s32 @!p2 $0x0  }
0x16: {  	s3 =	sld [smem:$0x3FDB];
	s0 =	simm.s32 @p2 $0x1  }
0x17: {  	s4 =	simm.s32 $0x1BF5;
	[smem:$0x3FBB] =	sst s0  }
0x18: {  	s0 =	sld [smem:$0x3F9E];
	_ =	swait.ge [sflag:s4], $0x0  }
0x19: {  	s7 =	sld [smem:$0x3F9F]  }
0x1a: {  	s8 =	sadd.s32 $0xFFFFE003, lr  }
0x1b: {  	s9 =	sadd.s32 $0xFFFFFEF7, lr;
	s5 =	simm.s32 $0xFFFFFFFF;
	p2 =	slt.u32 s8, $0xFFFFF086  }
0x1c: {  	p1 =	slt.u32 s9, $0xF7A;
	s5 =	simm.s32 @!p2 $0x0  }
0x1d: {  	s5 =	simm.s32 @p1 $0x1;
	p0 =	seq.s32 s7, s2  }
0x1e: {  	s7 =	smul.u32 @!p0 $0xF7A, s2;
	p2 =	seq.s32 @!p0 s5, $0x0  }
0x1f: {  	s9 =	smul.u32 $0xF7A, s1;
	s8 =	simm.s32 @!p0 $0x1BF5;
	p2 =	por !p2, p0  }
0x20: {  	[sflag:s8] =	ssyncset.s32 @!p0 $0xFFFFF086;
	s6 =	sadd.s32 @!p0 s3, s7;
	s7 =	simm.s32 @!p0 $0x108  }
0x21: {  	s3 =	sadd.s32 s3, s9;
	s6 =	sadd.s32 @!p0 $0x88, s6;
	s7 =	simm.s32 @p2 $0x1082  }
0x22: {  	[simem:s7], [sflag:s8] =	dma.local @!p0 [hbm:s6], $0xF7A  }
0x23: {  	s9 =	sor.u32 $0xD0000000, s2;
	s6 =	simm.s32 $0x108;
	_ =	swait.ge @!p0 [sflag:s8], $0x0  }
0x24: {  	s3 =	sadd.s32 $0x88, s3;
	s6 =	simm.s32 @!p1 $0x1082;
	[sflag:s4] =	ssyncset.s32 $0xFFFFF086  }
0x25: {  	[simem:s6], [sflag:s4] =	dma.local [hbm:s3], $0xF7A  }
0x26: {  	[smem:$0x3F9F] =	sst s1;
	(tag) =	ssettag s2;
	_ =	strace s9  }
0x27: {  	s1 =	sld [smem:$0x3FAF]  }
0x28: {  	s2 =	sld [smem:$0x3FB0]  }
0x29: {  	s4 =	sld [smem:$0x3FB2]  }
0x2a: {  	p0 =	seq.s32 s5, $0x0;
	s5 =	sld [smem:$0x3FB3]  }
0x2b: {  	s6 =	sld [smem:$0x3FB4]  }
0x2c: {  	s7 =	sld [smem:$0x3FB5]  }
0x2d: {  	s3 =	simm.s32 $0x108;
	s8 =	sld [smem:$0x3FB6]  }
0x2e: {  	s3 =	simm.s32 @!p0 $0x1082;
	s9 =	sld [smem:$0x3FB7]  }
0x2f: {  	lr =	sadd.s32 s0, s3;
	s0 =	sld [smem:$0x3FAE]  }
0x30: {  	s3 =	sld [smem:$0x3FB1]  }
0x31: {  	[smem:$0x3FBA] =	sst s10  }
0x32: {  	s10 =	sld [smem:$0x3FB8];
	_ =	sdelay $0x3  }
0x33: {  	p0 =	seq.s32 s10, $0x1;
	s10 =	sld [smem:$0x3FBA];
	_ =	sdelay $0x3  }
0x34: {  	[smem:$0x3FBA] =	sst s10  }
0x35: {  	s10 =	sld [smem:$0x3FB9];
	_ =	sdelay $0x3  }
0x36: {  	p1 =	seq.s32 s10, $0x1;
	s10 =	sld [smem:$0x3FBA];
	_ =	sdelay $0x3  }
0x37: {  	[smem:$0x3FBA] =	sst s10  }
0x38: {  	s10 =	sld [smem:$0x3FBB]  }
0x39: {  	_ = 	snop;
	(pc) =	sbr.ind lr, $3  }
0x3a: {  	_ = 	snop  }
0x3b: {  	_ = 	snop  }
0x3c: {  	p2 =	seq.s32 s10, $0x1;
	s10 =	sld [smem:$0x3FBA]  }
0x3d: {  	_ =	shalt  }
0x3e: {  	_ =	shalt  }
0x3f: {  	_ =	shalt  }
0x40: {  	_ =	shalt  }
0x41: {  	_ =	shalt  }
0x42: {  	_ =	shalt  }
0x43: {  	_ =	shalt  }
0x44: {  	_ =	shalt  }
0x45: {  	_ =	shalt  }
0x46: {  	_ =	shalt  }
0x47: {  	_ =	shalt  }
0x48: {  	_ =	shalt  }
0x49: {  	_ =	shalt  }
0x4a: {  	_ =	shalt  }
0x4b: {  	_ =	shalt  }
0x4c: {  	_ =	shalt  }
0x4d: {  	_ =	shalt  }
0x4e: {  	_ =	shalt  }
0x4f: {  	_ =	shalt  }
0x50: {  	_ =	shalt  }
0x51: {  	_ =	shalt  }
0x52: {  	_ =	shalt  }
0x53: {  	_ =	shalt  }
0x54: {  	_ =	shalt  }
0x55: {  	_ =	shalt  }
0x56: {  	_ =	shalt  }
0x57: {  	_ =	shalt  }
0x58: {  	_ =	shalt  }
0x59: {  	_ =	shalt  }
0x5a: {  	_ =	shalt  }
0x5b: {  	_ =	shalt  }
0x5c: {  	_ =	shalt  }
0x5d: {  	_ =	shalt  }
0x5e: {  	_ =	shalt  }
0x5f: {  	_ =	shalt  }
0x60: {  	_ =	shalt  }
0x61: {  	_ =	shalt  }
0x62: {  	_ =	shalt  }
0x63: {  	_ =	shalt  }
0x64: {  	_ =	shalt  }
0x65: {  	_ =	shalt  }
0x66: {  	_ =	shalt  }
0x67: {  	_ =	shalt  }
0x68: {  	_ =	shalt  }
0x69: {  	_ =	shalt  }
0x6a: {  	_ =	shalt  }
0x6b: {  	_ =	shalt  }
0x6c: {  	_ =	shalt  }
0x6d: {  	_ =	shalt  }
0x6e: {  	_ =	shalt  }
0x6f: {  	_ =	shalt  }
0x70: {  	_ =	shalt  }
0x71: {  	_ =	shalt  }
0x72: {  	_ =	shalt  }
0x73: {  	_ =	shalt  }
0x74: {  	_ =	shalt  }
0x75: {  	_ =	shalt  }
0x76: {  	_ =	shalt  }
0x77: {  	_ =	shalt  }
0x78: {  	_ =	shalt  }
0x79: {  	_ =	shalt  }
0x7a: {  	_ =	shalt  }
0x7b: {  	_ =	shalt  }
0x7c: {  	_ =	shalt  }
0x7d: {  	_ =	shalt  }
0x7e: {  	_ =	shalt  }
0x7f: {  	_ =	shalt  }
0x80: {  	_ =	shalt  }
0x81: {  	_ =	shalt  }
0x82: {  	_ =	shalt  }
0x83: {  	_ =	shalt  }
0x84: {  	_ =	shalt  }
0x85: {  	_ =	shalt  }
0x86: {  	_ =	shalt  }
0x87: {  	_ =	shalt  }
.Lfunc_end0:
.L_simem_size_0:
called_computation_lowered:
.L_overlay_start_0:
0x88: {  	s2 =	sld [smem:$0x3FD9]  }
0x89: {  	s3 =	sld [smem:$0x3FFE];
	_ =	sdelay $0x1  }
0x8a: {  	s1 =	srdreg.scid  }
0x8b: {  	s0 =	sand.u32 $0x1, s1  }
0x8c: {  	s18 =	sshll.u32 s0, $0xA;
	s2 =	sadd.s32 s3, s2  }
0x8d: {  	s2 =	sadd.s32 s2, s18  }
0x8e: {  	[smem:$0x3FC6] =	sst s2  }
0x8f: {  	_ = 	snop  }
0x90: {  	s2 =	sld [smem:$0x3FC9]  }
0x91: {  	s19 =	sld [smem:$0x3FC8]  }
0x92: {  	s4 =	sld [smem:$0x3FD0];
	(tm) =	ssettm $0x1  }
0x93: {  	s5 =	sld [smem:$0x3FFB];
	_ =	sdelay $0x3  }
0x94: {  	_ =	strace s5  }
0x95: {  	s5 =	sld [smem:$0x3FFC];
	_ =	sdelay $0x3  }
0x96: {  	_ =	strace s5  }
0x97: {  	s5 =	sld [smem:$0x3FFD];
	_ =	sdelay $0x3  }
0x98: {  	_ =	strace s5  }
0x99: {  	_ =	strace $0x8FFFFFFF  }
0x9a: {  	s20 =	sld [smem:$0x3FDB];
	_ =	sdelay $0x1  }
0x9b: {  	s6 =	simm.s32 $_scs_section_size  }
0x9c: {  	s7 =	simm.s32 $_size__tile_overlayer_lowered;
	s8 =	simm.s32 $_tile_overlayer_lowered  }
0x9d: {  	s23 =	simm.s32 $0x1BFF;
	s22 =	sshll.u32 s8, $0x1;
	s5 =	sadd.s32 s6, s20  }
0x9e: {  	s9 =	simm.s32 $0x0;
	s21 =	sshll.u32 s7, $0x1;
	s7 =	sadd.s32 s22, s5  }
0x9f: {  	[timem:s9], [sflag:s23] =	dma.local [hbm:s7], s21  }
0xa0: {  	_ =	swait.ge [sflag:s23], s21  }
0xa1: {  	s6 =	ssub.s32 $0x0, s21;
	[sflag:s23] =	ssyncset.done $0x0  }
0xa2: {  	[sflag:s23] =	ssyncadd.s32 s6;
	_ =	sdelay $0x1  }
0xa3: {  	s24 =	simm.s32 $0x1B8B  }
0xa4: {  	_ =	swait.ge [sflag:s24], $0x1  }
0xa5: {  	[sflag:s24] =	ssyncset.done $0x0  }
0xa6: {  	s25 =	simm.s32 $0x1B8E;
	[sflag:s24] =	ssyncadd.s32 $0xFFFFFFFF  }
0xa7: {  	s26 =	simm.s32 $execute0_lowered;
	[smem:$0x3FD2] =	sst s25  }
0xa8: {  	s6 =	sshll.u32 s26, $0x1;
	_ =	strace $0x80000046;
	[dreg:$0x1] =	wrdreg $0xFFFFFFFF  }
0xa9: {  	s28 =	simm.s32 $_size_execute0_lowered;
	s5 =	sadd.s32 s5, s6;
	[dreg:$0x0] =	wrdreg $0x0  }
0xaa: {  	s6 =	sshll.u32 s28, $0x1;
	[dreg:$0x2] =	wrdreg s5  }
0xab: {  	[dreg:$0x3] =	wrdreg s6  }
0xac: {  	[dreg:$0x4] =	wrdreg $0xC0  }
0xad: {  	_ =	task [dreg:s9], $0x5FFFF  }
0xae: {  	[dreg:$0x1] =	wrdreg $0xFFFFFFFF  }
0xaf: {  	[dreg:$0x0] =	wrdreg $0x60  }
0xb0: {  	[dreg:$0x2] =	wrdreg s2  }
0xb1: {  	[dreg:$0x3] =	wrdreg s19  }
0xb2: {  	[dreg:$0x4] =	wrdreg s4  }
0xb3: {  	[dreg:$0x5] =	wrdreg $0x9  }
0xb4: {  	_ =	task.clear_ibuf [dreg:s9], $0x6FFFF;
	_ =	strace $0x90000046  }
0xb5: {  	s29 =	simm.s32 $0x9;
	_ =	strace $0x80000048  }
0xb6: {  	_ =	swait.ge [sflag:s29], $0x1  }
0xb7: {  	[sflag:s29] =	ssyncadd.s32 $0xFFFFFFFF  }
0xb8: {  	_ =	strace $0x90000048  }
0xb9: {  	_ =	sfence  }
0xba: {  	s30 =	sld [smem:$0x0];
	_ =	sdelay $0x2  }
0xbb: {  	s31 =	sshll.u32 s1, $0xD;
	s1 =	sshrl.u32 s1, $0x2  }
0xbc: {  	s3 =	sand.u32 $0x4000, s31;
	s1 =	sadd.s32 s1, s30  }
0xbd: {  	s0 =	sor.u32 s3, s0;
	s1 =	sshll.u32 s1, $0x11  }
0xbe: {  	s0 =	sor.u32 s1, s0  }
0xbf: {  	s0 =	sadd.s32 $0x8F2B, s0  }
0xc0: {  	[sflag:s0] =	ssyncadd.remote.s32 $0x1  }
0xc1: {  	_ =	sfence.sel $0xFFFF  }
0xc2: {  	[dreg:$0x0] =	wrdreg $0xFFFFFFFF;
	(pc) =	sbr.abs _section_cstart, $3  }
0xc3: {  	[dreg:$0x1] =	wrdreg $0xFFFFFFFF  }
0xc4: {  	_ =	task.clear_ibuf [dreg:s9], $0x2FFFF;
	_ =	strace $0x9FFFFFFF  }
0xc5: {  	(tm) =	ssettm $0x7FFFFFFF  }
tec
execute0_lowered:
.L_overlay_start_1:
0x0: {  	(tag) =	ssettag $0x1  }
0x1: {  	s1 =	rddreg [dreg:$0x0]  }
0x2: {  	s0 =	rddreg [dreg:$0x1];
	s3 =	simm.s32 $0x0  }
0x3: {  	s2 =	srdreg.scid;
	s5 =	stileid.u32;
	s30 =	simm.s32 $0x3180  }
0x4: {  	s31 =	simm.s32 $0x3980;
	s29 =	simm.s32 $0x10180;
	[dreg:$0x4] =	wrdreg s0  }
0x5: {  	s28 =	simm.s32 $0x10980;
	s0 =	rddreg [dreg:$0x2];
	s2 =	sand.u32 $0x1, s2  }
0x6: {  	[smem:$0x7FF] =	sst s3;
	s5 =	sshll.u32 s5, $0x9;
	s4 =	ssub.s32 $0x2, s2  }
0x7: {  	s2 =	sshll.u32 s2, $0x8;
	_ =	strace $0x80000047;
	s6 =	sshrl.u32 s4, $0x1  }
0x8: {  	s16 =	sor.u32 s2, s5;
	s5 =	sadd.s32 $0x200, s1;
	s2 =	ssub.s32 s4, s6  }
0x9: {  	s17 =	sor.u32 $0x10, s16;
	s18 =	sor.u32 $0x20, s16;
	s23 =	sor.u32 $0x30, s16  }
0xa: {  	s19 =	sor.u32 $0x40, s16;
	s24 =	sor.u32 $0x50, s16;
	s21 =	sor.u32 $0x60, s16  }
0xb: {  	s22 =	sor.u32 $0x70, s16;
	s20 =	sor.u32 $0x80, s16;
	s13 =	sor.u32 $0x90, s16  }
0xc: {  	s14 =	sor.u32 $0xA0, s16;
	s15 =	sor.u32 $0xB0, s16;
	s10 =	sor.u32 $0xC0, s16  }
0xd: {  	v18 =	vlaneseq.u32;
	s11 =	sor.u32 $0xD0, s16;
	s12 =	sor.u32 $0xE0, s16;
	s9 =	sor.u32 $0xF0, s16  }
0xe: {  	s4 =	sadd.s32 $0x100, s1;
	s26 =	sshll.u32 s16, $0x7;
	v0 =	vor.u32 s16, v18;
	s16 =	simm.s32 $0x15180  }
0xf: {  	s6 =	sadd.s32 s0, s26;
	s7 =	sshll.u32 s18, $0x7;
	s8 =	sshll.u32 s19, $0x7  }
0x10: {  	s26 =	sshll.u32 s21, $0x7;
	v4 =	vor.u32 s19, v18;
	v6 =	vor.u32 s21, v18;
	s19 =	simm.s32 $0x1;
	s21 =	simm.s32 $0x8180  }
0x11: {  	v9 =	vor.u32 s13, v18;
	v13 =	vor.u32 s11, v18;
	v15 =	vor.u32 s9, v18;
	s9 =	simm.s32 $0x11980;
	s11 =	simm.s32 $0x12980;
	s13 =	simm.s32 $0x13980  }
0x12: {  	v1 =	vor.u32 s17, v18;
	v2 =	vor.u32 s18, v18;
	v11 =	vor.u32 s15, v18;
	s15 =	simm.s32 $0x14980;
	s17 =	simm.s32 $0x15980;
	s18 =	simm.s32 $0x16180  }
0x13: {  	v3 =	vor.u32 s23, v18;
	v5 =	vor.u32 s24, v18;
	s23 =	simm.s32 $0x16980;
	s24 =	simm.s32 $0x17180;
	[dreg:$0x5] =	wrdreg s6  }
0x14: {  	s7 =	sadd.s32 s0, s7;
	s25 =	sadd.s32 s0, s8;
	s8 =	sshll.u32 s20, $0x7  }
0x15: {  	v8 =	vor.u32 s20, v18;
	s6 =	sadd.s32 $0x300, s1;
	s20 =	simm.s32 $0x2;
	[dreg:$0x6] =	wrdreg s7  }
0x16: {  	[dreg:$0x7] =	wrdreg s25;
	s7 =	sadd.s32 s0, s26;
	s25 =	sadd.s32 s0, s8  }
0x17: {  	s26 =	sshll.u32 s14, $0x7;
	s8 =	sshll.u32 s10, $0x7;
	[dreg:$0x8] =	wrdreg s7  }
0x18: {  	v10 =	vor.u32 s14, v18;
	v12 =	vor.u32 s10, v18;
	s10 =	simm.s32 $0x12180;
	s14 =	simm.s32 $0x14180;
	[dreg:$0x9] =	wrdreg s25  }
0x19: {  	s7 =	sadd.s32 s0, s26;
	s25 =	sadd.s32 s0, s8;
	s26 =	sshll.u32 s12, $0x7  }
0x1a: {  	v14 =	vor.u32 s12, v18;
	s8 =	simm.s32 $0x4;
	s12 =	simm.s32 $0x13180;
	[dreg:$0xa] =	wrdreg s7  }
0x1b: {  	vm0 =	vmmov $0xffff;
	v16 =	vand.u32 $0x7, v18;
	v17 =	vshrl.u32 v18, $0x3;
	[dreg:$0xb] =	wrdreg s25;
	s0 =	sadd.s32 s0, s26;
	s7 =	smax.u32 s2, $0x1  }
0x1c: {  	v17 =	vmul.u32 $0x8, v17;
	v7 =	vor.u32 s22, v18;
	v18 =	vor.u32 $0x8, v18;
	s25 =	simm.s32 $0x180;
	s26 =	simm.s32 $0x17980;
	[dreg:$0xc] =	wrdreg s0  }
.LBB2_1:
0x1d: {  	s22 =	rddreg [dreg:$0x4]  }
0x1e: {  	[tilespmem:s3], [sflag:$0x4] =	stream.linear.gather [hbm4b:s22+s3], $0x80, $0x38;
	[tilespmem:$0x18180] =	vst v63  }
0x1f: {  	_ =	swait.ge [sflag:s8], $0x80  }
0x20: {  	[sflag:s8] =	ssyncset.done $0x0  }
0x21: {  	[sflag:s8] =	ssyncadd.s32 $0xFFFFFF80  }
0x22: {  	v19 =	vld [tilespmem:$0x0];
	_ =	sdelay $0x4  }
0x23: {  	vm1 =	vlt.s32 v1, v19  }
0x24: {  	vm2 =	vlt.s32 v0, v19;
	v20 =	vsel vm1, v1, v19  }
0x25: {  	vm1 =	vlt.s32 v2, v19;
	v21 =	vsel vm2, v0, v19;
	[tilespmem:$0x90] =	vst v20  }
0x26: {  	v20 =	vsel vm1, v2, v19;
	vm1 =	vlt.s32 v3, v19;
	[tilespmem:$0x80] =	vst v21  }
0x27: {  	[tilespmem:$0xA0] =	vst v20;
	v20 =	vsel vm1, v3, v19;
	vm1 =	vlt.s32 v4, v19  }
0x28: {  	[tilespmem:$0xB0] =	vst v20;
	v20 =	vsel vm1, v4, v19;
	vm1 =	vlt.s32 v5, v19  }
0x29: {  	[tilespmem:$0xC0] =	vst v20;
	v20 =	vsel vm1, v5, v19;
	vm1 =	vlt.s32 v6, v19  }
0x2a: {  	v22 =	vshll.u32 v21, $0x3;
	[tilespmem:$0xD0] =	vst v20;
	v20 =	vsel vm1, v6, v19;
	vm1 =	vlt.s32 v7, v19  }
0x2b: {  	v21 =	vand.u32 $0x7, v21;
	[tilespmem:$0xE0] =	vst v20;
	v20 =	vsel vm1, v7, v19;
	vm1 =	vlt.s32 v8, v19  }
0x2c: {  	v22 =	vand.u32 $0xFFFFFFC0, v22;
	[tilespmem:$0xF0] =	vst v20;
	v20 =	vsel vm1, v8, v19;
	vm1 =	vlt.s32 v9, v19  }
0x2d: {  	v21 =	vor.u32 v21, v22;
	[tilespmem:$0x100] =	vst v20;
	v20 =	vsel vm1, v9, v19;
	vm1 =	vlt.s32 v10, v19  }
0x2e: {  	v22 =	vperm.xlane v21, v16;
	[tilespmem:$0x110] =	vst v20;
	v20 =	vsel vm1, v10, v19;
	vm1 =	vlt.s32 v11, v19  }
0x2f: {  	[tilespmem:$0x120] =	vst v20;
	v20 =	vsel vm1, v11, v19;
	vm1 =	vlt.s32 v12, v19  }
0x30: {  	v22 =	vadd.s32 v17, v22;
	[tilespmem:$0x130] =	vst v20;
	v20 =	vsel vm1, v12, v19;
	vm1 =	vlt.s32 v13, v19  }
0x31: {  	[tilespmem:$0x140] =	vst v20;
	v20 =	vsel vm1, v13, v19;
	vm1 =	vlt.s32 v14, v19  }
0x32: {  	[tilespmem:$0x150] =	vst v20;
	v20 =	vsel vm1, v14, v19;
	vm1 =	vlt.s32 v15, v19  }
0x33: {  	[tilespmem:$0x160] =	vst v20;
	v19 =	vsel vm1, v15, v19  }
0x34: {  	[tilespmem:$0x170] =	vst v19  }
0x35: {  	[tilespmem:s25], [sflag:$0x1] =	stream.indirect_vreg.gather [hbm4b:s1+s3], $0x80, v22, vm0, $0xb8;
	[tilespmem:$0x18180] =	vst v63  }
0x36: {  	s0 =	simm.s32 $0x980;
	v19 =	vperm.xlane v21, v18  }
0x37: {  	[tilespmem:s0], [sflag:$0x1] =	stream.indirect_vreg.gather [hbm4b:s4+s3], $0x80, v22, vm0, $0xb8;
	[tilespmem:$0x18180] =	vst v63  }
0x38: {  	s22 =	simm.s32 $0x1180;
	v19 =	vadd.s32 v17, v19  }
0x39: {  	[tilespmem:s22], [sflag:$0x1] =	stream.indirect_vreg.gather [hbm4b:s5+s3], $0x80, v22, vm0, $0xb8;
	[tilespmem:$0x18180] =	vst v63  }
0x3a: {  	s2 =	simm.s32 $0x1980  }
0x3b: {  	[tilespmem:s2], [sflag:$0x1] =	stream.indirect_vreg.gather [hbm4b:s6+s3], $0x80, v22, vm0, $0xb8;
	[tilespmem:$0x18180] =	vst v63  }
0x3c: {  	s22 =	simm.s32 $0x2180  }
0x3d: {  	[tilespmem:s22], [sflag:$0x1] =	stream.indirect_vreg.gather [hbm4b:s1+s3], $0x80, v19, vm0, $0xb8;
	[tilespmem:$0x18180] =	vst v63  }
0x3e: {  	s2 =	simm.s32 $0x2980  }
0x3f: {  	[tilespmem:s2], [sflag:$0x1] =	stream.indirect_vreg.gather [hbm4b:s4+s3], $0x80, v19, vm0, $0xb8;
	[tilespmem:$0x18180] =	vst v63  }
0x40: {  	_ = 	snop  }
0x41: {  	[tilespmem:s30], [sflag:$0x1] =	stream.indirect_vreg.gather [hbm4b:s5+s3], $0x80, v19, vm0, $0xb8;
	[tilespmem:$0x18180] =	vst v63  }
0x42: {  	_ = 	snop  }
0x43: {  	[tilespmem:s31], [sflag:$0x1] =	stream.indirect_vreg.gather [hbm4b:s6+s3], $0x80, v19, vm0, $0xb8;
	[tilespmem:$0x18180] =	vst v63  }
0x44: {  	v19 =	vld [tilespmem:$0x90];
	_ =	sdelay $0x4  }
0x45: {  	v20 =	vshll.u32 v19, $0x3  }
0x46: {  	v19 =	vand.u32 $0x7, v19;
	v20 =	vand.u32 $0xFFFFFFC0, v20  }
0x47: {  	v19 =	vor.u32 v19, v20  }
0x48: {  	v20 =	vperm.xlane v19, v16;
	_ =	sdelay $0x1  }
0x49: {  	v20 =	vadd.s32 v17, v20;
	_ =	sdelay $0x3  }
0x4a: {  	s22 =	simm.s32 $0x4180  }
0x4b: {  	[tilespmem:s22], [sflag:$0x1] =	stream.indirect_vreg.gather [hbm4b:s1+s3], $0x80, v20, vm0, $0xb8;
	[tilespmem:$0x18180] =	vst v63  }
0x4c: {  	s2 =	simm.s32 $0x4980;
	v19 =	vperm.xlane v19, v18  }
0x4d: {  	[tilespmem:s2], [sflag:$0x1] =	stream.indirect_vreg.gather [hbm4b:s4+s3], $0x80, v20, vm0, $0xb8;
	[tilespmem:$0x18180] =	vst v63  }
0x4e: {  	v19 =	vadd.s32 v17, v19;
	s22 =	simm.s32 $0x5180  }
0x4f: {  	[tilespmem:s22], [sflag:$0x1] =	stream.indirect_vreg.gather [hbm4b:s5+s3], $0x80, v20, vm0, $0xb8;
	[tilespmem:$0x18180] =	vst v63  }
0x50: {  	s2 =	simm.s32 $0x5980  }
0x51: {  	[tilespmem:s2], [sflag:$0x1] =	stream.indirect_vreg.gather [hbm4b:s6+s3], $0x80, v20, vm0, $0xb8;
	[tilespmem:$0x18180] =	vst v63  }
0x52: {  	s22 =	simm.s32 $0x6180  }
0x53: {  	[tilespmem:s22], [sflag:$0x1] =	stream.indirect_vreg.gather [hbm4b:s1+s3], $0x80, v19, vm0, $0xb8;
	[tilespmem:$0x18180] =	vst v63  }
0x54: {  	s2 =	simm.s32 $0x6980  }
0x55: {  	[tilespmem:s2], [sflag:$0x1] =	stream.indirect_vreg.gather [hbm4b:s4+s3], $0x80, v19, vm0, $0xb8;
	[tilespmem:$0x18180] =	vst v63  }
0x56: {  	s22 =	simm.s32 $0x7180  }
0x57: {  	[tilespmem:s22], [sflag:$0x1] =	stream.indirect_vreg.gather [hbm4b:s5+s3], $0x80, v19, vm0, $0xb8;
	[tilespmem:$0x18180] =	vst v63  }
0x58: {  	s2 =	simm.s32 $0x7980  }
0x59: {  	[tilespmem:s2], [sflag:$0x1] =	stream.indirect_vreg.gather [hbm4b:s6+s3], $0x80, v19, vm0, $0xb8;
	[tilespmem:$0x18180] =	vst v63  }
0x5a: {  	v19 =	vld [tilespmem:$0xA0];
	_ =	sdelay $0x4  }
0x5b: {  	v20 =	vshll.u32 v19, $0x3  }
0x5c: {  	v19 =	vand.u32 $0x7, v19;
	v20 =	vand.u32 $0xFFFFFFC0, v20  }
0x5d: {  	v19 =	vor.u32 v19, v20  }
0x5e: {  	v20 =	vperm.xlane v19, v16;
	_ =	sdelay $0x1  }
0x5f: {  	v20 =	vadd.s32 v17, v20;
	_ =	sdelay $0x4  }
0x60: {  	[tilespmem:s21], [sflag:$0x2] =	stream.indirect_vreg.gather [hbm4b:s1+s3], $0x80, v20, vm0, $0xb8;
	[tilespmem:$0x18180] =	vst v63  }
0x61: {  	s22 =	simm.s32 $0x8980;
	v19 =	vperm.xlane v19, v18  }
0x62: {  	[tilespmem:s22], [sflag:$0x2] =	stream.indirect_vreg.gather [hbm4b:s4+s3], $0x80, v20, vm0, $0xb8;
	[tilespmem:$0x18180] =	vst v63  }
0x63: {  	s2 =	simm.s32 $0x9180;
	v19 =	vadd.s32 v17, v19  }
0x64: {  	[tilespmem:s2], [sflag:$0x2] =	stream.indirect_vreg.gather [hbm4b:s5+s3], $0x80, v20, vm0, $0xb8;
	[tilespmem:$0x18180] =	vst v63  }
0x65: {  	s22 =	simm.s32 $0x9980  }
0x66: {  	[tilespmem:s22], [sflag:$0x2] =	stream.indirect_vreg.gather [hbm4b:s6+s3], $0x80, v20, vm0, $0xb8;
	[tilespmem:$0x18180] =	vst v63  }
0x67: {  	s2 =	simm.s32 $0xA180  }
0x68: {  	[tilespmem:s2], [sflag:$0x2] =	stream.indirect_vreg.gather [hbm4b:s1+s3], $0x80, v19, vm0, $0xb8;
	[tilespmem:$0x18180] =	vst v63  }
0x69: {  	s22 =	simm.s32 $0xA980  }
0x6a: {  	[tilespmem:s22], [sflag:$0x2] =	stream.indirect_vreg.gather [hbm4b:s4+s3], $0x80, v19, vm0, $0xb8;
	[tilespmem:$0x18180] =	vst v63  }
0x6b: {  	s2 =	simm.s32 $0xB180  }
0x6c: {  	[tilespmem:s2], [sflag:$0x2] =	stream.indirect_vreg.gather [hbm4b:s5+s3], $0x80, v19, vm0, $0xb8;
	[tilespmem:$0x18180] =	vst v63  }
0x6d: {  	s22 =	simm.s32 $0xB980  }
0x6e: {  	[tilespmem:s22], [sflag:$0x2] =	stream.indirect_vreg.gather [hbm4b:s6+s3], $0x80, v19, vm0, $0xb8;
	[tilespmem:$0x18180] =	vst v63  }
0x6f: {  	v19 =	vld [tilespmem:$0xB0];
	_ =	sdelay $0x4  }
0x70: {  	v20 =	vshll.u32 v19, $0x3  }
0x71: {  	v19 =	vand.u32 $0x7, v19;
	v20 =	vand.u32 $0xFFFFFFC0, v20  }
0x72: {  	v19 =	vor.u32 v19, v20  }
0x73: {  	v20 =	vperm.xlane v19, v16;
	_ =	sdelay $0x1  }
0x74: {  	v20 =	vadd.s32 v17, v20;
	_ =	sdelay $0x3  }
0x75: {  	s2 =	simm.s32 $0xC180  }
0x76: {  	[tilespmem:s2], [sflag:$0x2] =	stream.indirect_vreg.gather [hbm4b:s1+s3], $0x80, v20, vm0, $0xb8;
	[tilespmem:$0x18180] =	vst v63  }
0x77: {  	s22 =	simm.s32 $0xC980;
	v19 =	vperm.xlane v19, v18  }
0x78: {  	[tilespmem:s22], [sflag:$0x2] =	stream.indirect_vreg.gather [hbm4b:s4+s3], $0x80, v20, vm0, $0xb8;
	[tilespmem:$0x18180] =	vst v63  }
0x79: {  	v19 =	vadd.s32 v17, v19;
	s2 =	simm.s32 $0xD180  }
0x7a: {  	[tilespmem:s2], [sflag:$0x2] =	stream.indirect_vreg.gather [hbm4b:s5+s3], $0x80, v20, vm0, $0xb8;
	[tilespmem:$0x18180] =	vst v63  }
0x7b: {  	s22 =	simm.s32 $0xD980  }
0x7c: {  	[tilespmem:s22], [sflag:$0x2] =	stream.indirect_vreg.gather [hbm4b:s6+s3], $0x80, v20, vm0, $0xb8;
	[tilespmem:$0x18180] =	vst v63  }
0x7d: {  	s2 =	simm.s32 $0xE180  }
0x7e: {  	[tilespmem:s2], [sflag:$0x2] =	stream.indirect_vreg.gather [hbm4b:s1+s3], $0x80, v19, vm0, $0xb8;
	[tilespmem:$0x18180] =	vst v63  }
0x7f: {  	s22 =	simm.s32 $0xE980  }
0x80: {  	[tilespmem:s22], [sflag:$0x2] =	stream.indirect_vreg.gather [hbm4b:s4+s3], $0x80, v19, vm0, $0xb8;
	[tilespmem:$0x18180] =	vst v63  }
0x81: {  	s2 =	simm.s32 $0xF180  }
0x82: {  	[tilespmem:s2], [sflag:$0x2] =	stream.indirect_vreg.gather [hbm4b:s5+s3], $0x80, v19, vm0, $0xb8;
	[tilespmem:$0x18180] =	vst v63  }
0x83: {  	s22 =	simm.s32 $0xF980  }
0x84: {  	[tilespmem:s22], [sflag:$0x2] =	stream.indirect_vreg.gather [hbm4b:s6+s3], $0x80, v19, vm0, $0xb8;
	[tilespmem:$0x18180] =	vst v63  }
0x85: {  	v19 =	vld [tilespmem:$0xC0];
	_ =	sdelay $0x4  }
0x86: {  	v20 =	vshll.u32 v19, $0x3  }
0x87: {  	v19 =	vand.u32 $0x7, v19;
	v20 =	vand.u32 $0xFFFFFFC0, v20  }
0x88: {  	v19 =	vor.u32 v19, v20  }
0x89: {  	v20 =	vperm.xlane v19, v16;
	_ =	sdelay $0x1  }
0x8a: {  	v20 =	vadd.s32 v17, v20;
	_ =	sdelay $0x4  }
0x8b: {  	[tilespmem:s29], [sflag:$0x3] =	stream.indirect_vreg.gather [hbm4b:s1+s3], $0x80, v20, vm0, $0xb8;
	[tilespmem:$0x18180] =	vst v63  }
0x8c: {  	v19 =	vperm.xlane v19, v18  }
0x8d: {  	[tilespmem:s28], [sflag:$0x3] =	stream.indirect_vreg.gather [hbm4b:s4+s3], $0x80, v20, vm0, $0xb8;
	[tilespmem:$0x18180] =	vst v63  }
0x8e: {  	s2 =	simm.s32 $0x11180;
	v19 =	vadd.s32 v17, v19  }
0x8f: {  	[tilespmem:s2], [sflag:$0x3] =	stream.indirect_vreg.gather [hbm4b:s5+s3], $0x80, v20, vm0, $0xb8;
	[tilespmem:$0x18180] =	vst v63  }
0x90: {  	_ = 	snop  }
0x91: {  	[tilespmem:s9], [sflag:$0x3] =	stream.indirect_vreg.gather [hbm4b:s6+s3], $0x80, v20, vm0, $0xb8;
	[tilespmem:$0x18180] =	vst v63  }
0x92: {  	_ = 	snop  }
0x93: {  	[tilespmem:s10], [sflag:$0x3] =	stream.indirect_vreg.gather [hbm4b:s1+s3], $0x80, v19, vm0, $0xb8;
	[tilespmem:$0x18180] =	vst v63  }
0x94: {  	_ = 	snop  }
0x95: {  	[tilespmem:s11], [sflag:$0x3] =	stream.indirect_vreg.gather [hbm4b:s4+s3], $0x80, v19, vm0, $0xb8;
	[tilespmem:$0x18180] =	vst v63  }
0x96: {  	_ = 	snop  }
0x97: {  	[tilespmem:s12], [sflag:$0x3] =	stream.indirect_vreg.gather [hbm4b:s5+s3], $0x80, v19, vm0, $0xb8;
	[tilespmem:$0x18180] =	vst v63  }
0x98: {  	_ = 	snop  }
0x99: {  	[tilespmem:s13], [sflag:$0x3] =	stream.indirect_vreg.gather [hbm4b:s6+s3], $0x80, v19, vm0, $0xb8;
	[tilespmem:$0x18180] =	vst v63  }
0x9a: {  	v19 =	vld [tilespmem:$0xD0];
	_ =	sdelay $0x4  }
0x9b: {  	v20 =	vshll.u32 v19, $0x3  }
0x9c: {  	v19 =	vand.u32 $0x7, v19;
	v20 =	vand.u32 $0xFFFFFFC0, v20  }
0x9d: {  	v19 =	vor.u32 v19, v20  }
0x9e: {  	v20 =	vperm.xlane v19, v16;
	_ =	sdelay $0x1  }
0x9f: {  	v20 =	vadd.s32 v17, v20;
	_ =	sdelay $0x4  }
0xa0: {  	[tilespmem:s14], [sflag:$0x3] =	stream.indirect_vreg.gather [hbm4b:s1+s3], $0x80, v20, vm0, $0xb8;
	[tilespmem:$0x18180] =	vst v63  }
0xa1: {  	v19 =	vperm.xlane v19, v18  }
0xa2: {  	[tilespmem:s15], [sflag:$0x3] =	stream.indirect_vreg.gather [hbm4b:s4+s3], $0x80, v20, vm0, $0xb8;
	[tilespmem:$0x18180] =	vst v63  }
0xa3: {  	v19 =	vadd.s32 v17, v19  }
0xa4: {  	[tilespmem:s16], [sflag:$0x3] =	stream.indirect_vreg.gather [hbm4b:s5+s3], $0x80, v20, vm0, $0xb8;
	[tilespmem:$0x18180] =	vst v63  }
0xa5: {  	_ = 	snop  }
0xa6: {  	[tilespmem:s17], [sflag:$0x3] =	stream.indirect_vreg.gather [hbm4b:s6+s3], $0x80, v20, vm0, $0xb8;
	[tilespmem:$0x18180] =	vst v63  }
0xa7: {  	_ = 	snop  }
0xa8: {  	[tilespmem:s18], [sflag:$0x3] =	stream.indirect_vreg.gather [hbm4b:s1+s3], $0x80, v19, vm0, $0xb8;
	[tilespmem:$0x18180] =	vst v63  }
0xa9: {  	_ = 	snop  }
0xaa: {  	[tilespmem:s23], [sflag:$0x3] =	stream.indirect_vreg.gather [hbm4b:s4+s3], $0x80, v19, vm0, $0xb8;
	[tilespmem:$0x18180] =	vst v63  }
0xab: {  	_ = 	snop  }
0xac: {  	[tilespmem:s24], [sflag:$0x3] =	stream.indirect_vreg.gather [hbm4b:s5+s3], $0x80, v19, vm0, $0xb8;
	[tilespmem:$0x18180] =	vst v63  }
0xad: {  	_ = 	snop  }
0xae: {  	[tilespmem:s26], [sflag:$0x3] =	stream.indirect_vreg.gather [hbm4b:s6+s3], $0x80, v19, vm0, $0xb8;
	[tilespmem:$0x18180] =	vst v63  }
0xaf: {  	_ =	swait.ge [sflag:s19], $0x8000  }
0xb0: {  	[sflag:s19] =	ssyncset.done $0x0  }
0xb1: {  	s0 =	rddreg [dreg:$0x5];
	[sflag:s19] =	ssyncadd.s32 $0xFFFF8000  }
0xb2: {  	[hbm4b:s0+s3] =	stream.linear.scatter [tilespmem:s25], [sflag:$0x4], $0x8000, $0x38;
	[tilespmem:$0x18180] =	vst v63  }
0xb3: {  	_ =	swait.ge [sflag:s8], $0x8000  }
0xb4: {  	[sflag:s8] =	ssyncset.done $0x0  }
0xb5: {  	[sflag:s8] =	ssyncadd.s32 $0xFFFF8000  }
0xb6: {  	v19 =	vld [tilespmem:$0xE0];
	_ =	sdelay $0x4  }
0xb7: {  	v20 =	vshll.u32 v19, $0x3  }
0xb8: {  	v19 =	vand.u32 $0x7, v19;
	v20 =	vand.u32 $0xFFFFFFC0, v20  }
0xb9: {  	v19 =	vor.u32 v19, v20  }
0xba: {  	v20 =	vperm.xlane v19, v16;
	_ =	sdelay $0x1  }
0xbb: {  	v20 =	vadd.s32 v17, v20;
	_ =	sdelay $0x4  }
0xbc: {  	[tilespmem:s25], [sflag:$0x1] =	stream.indirect_vreg.gather [hbm4b:s1+s3], $0x80, v20, vm0, $0xb8;
	[tilespmem:$0x18180] =	vst v63  }
0xbd: {  	s22 =	simm.s32 $0x980;
	v19 =	vperm.xlane v19, v18  }
0xbe: {  	[tilespmem:s22], [sflag:$0x1] =	stream.indirect_vreg.gather [hbm4b:s4+s3], $0x80, v20, vm0, $0xb8;
	[tilespmem:$0x18180] =	vst v63  }
0xbf: {  	v19 =	vadd.s32 v17, v19;
	s22 =	simm.s32 $0x1180  }
0xc0: {  	[tilespmem:s22], [sflag:$0x1] =	stream.indirect_vreg.gather [hbm4b:s5+s3], $0x80, v20, vm0, $0xb8;
	[tilespmem:$0x18180] =	vst v63  }
0xc1: {  	s22 =	simm.s32 $0x1980  }
0xc2: {  	[tilespmem:s22], [sflag:$0x1] =	stream.indirect_vreg.gather [hbm4b:s6+s3], $0x80, v20, vm0, $0xb8;
	[tilespmem:$0x18180] =	vst v63  }
0xc3: {  	s22 =	simm.s32 $0x2180  }
0xc4: {  	[tilespmem:s22], [sflag:$0x1] =	stream.indirect_vreg.gather [hbm4b:s1+s3], $0x80, v19, vm0, $0xb8;
	[tilespmem:$0x18180] =	vst v63  }
0xc5: {  	s22 =	simm.s32 $0x2980  }
0xc6: {  	[tilespmem:s22], [sflag:$0x1] =	stream.indirect_vreg.gather [hbm4b:s4+s3], $0x80, v19, vm0, $0xb8;
	[tilespmem:$0x18180] =	vst v63  }
0xc7: {  	_ = 	snop  }
0xc8: {  	[tilespmem:s30], [sflag:$0x1] =	stream.indirect_vreg.gather [hbm4b:s5+s3], $0x80, v19, vm0, $0xb8;
	[tilespmem:$0x18180] =	vst v63  }
0xc9: {  	_ = 	snop  }
0xca: {  	[tilespmem:s31], [sflag:$0x1] =	stream.indirect_vreg.gather [hbm4b:s6+s3], $0x80, v19, vm0, $0xb8;
	[tilespmem:$0x18180] =	vst v63  }
0xcb: {  	v19 =	vld [tilespmem:$0xF0];
	_ =	sdelay $0x4  }
0xcc: {  	v20 =	vshll.u32 v19, $0x3  }
0xcd: {  	v19 =	vand.u32 $0x7, v19;
	v20 =	vand.u32 $0xFFFFFFC0, v20  }
0xce: {  	v19 =	vor.u32 v19, v20  }
0xcf: {  	v20 =	vperm.xlane v19, v16;
	_ =	sdelay $0x1  }
0xd0: {  	v20 =	vadd.s32 v17, v20;
	_ =	sdelay $0x3  }
0xd1: {  	s22 =	simm.s32 $0x4180  }
0xd2: {  	[tilespmem:s22], [sflag:$0x1] =	stream.indirect_vreg.gather [hbm4b:s1+s3], $0x80, v20, vm0, $0xb8;
	[tilespmem:$0x18180] =	vst v63  }
0xd3: {  	v19 =	vperm.xlane v19, v18;
	s22 =	simm.s32 $0x4980  }
0xd4: {  	[tilespmem:s22], [sflag:$0x1] =	stream.indirect_vreg.gather [hbm4b:s4+s3], $0x80, v20, vm0, $0xb8;
	[tilespmem:$0x18180] =	vst v63  }
0xd5: {  	v19 =	vadd.s32 v17, v19;
	s22 =	simm.s32 $0x5180  }
0xd6: {  	[tilespmem:s22], [sflag:$0x1] =	stream.indirect_vreg.gather [hbm4b:s5+s3], $0x80, v20, vm0, $0xb8;
	[tilespmem:$0x18180] =	vst v63  }
0xd7: {  	s22 =	simm.s32 $0x5980  }
0xd8: {  	[tilespmem:s22], [sflag:$0x1] =	stream.indirect_vreg.gather [hbm4b:s6+s3], $0x80, v20, vm0, $0xb8;
	[tilespmem:$0x18180] =	vst v63  }
0xd9: {  	s22 =	simm.s32 $0x6180  }
0xda: {  	[tilespmem:s22], [sflag:$0x1] =	stream.indirect_vreg.gather [hbm4b:s1+s3], $0x80, v19, vm0, $0xb8;
	[tilespmem:$0x18180] =	vst v63  }
0xdb: {  	s22 =	simm.s32 $0x6980  }
0xdc: {  	[tilespmem:s22], [sflag:$0x1] =	stream.indirect_vreg.gather [hbm4b:s4+s3], $0x80, v19, vm0, $0xb8;
	[tilespmem:$0x18180] =	vst v63  }
0xdd: {  	s22 =	simm.s32 $0x7180  }
0xde: {  	[tilespmem:s22], [sflag:$0x1] =	stream.indirect_vreg.gather [hbm4b:s5+s3], $0x80, v19, vm0, $0xb8;
	[tilespmem:$0x18180] =	vst v63  }
0xdf: {  	s22 =	simm.s32 $0x7980  }
0xe0: {  	[tilespmem:s22], [sflag:$0x1] =	stream.indirect_vreg.gather [hbm4b:s6+s3], $0x80, v19, vm0, $0xb8;
	[tilespmem:$0x18180] =	vst v63  }
0xe1: {  	_ =	swait.ge [sflag:s20], $0x8000  }
0xe2: {  	[sflag:s20] =	ssyncset.done $0x0  }
0xe3: {  	s0 =	rddreg [dreg:$0x6];
	[sflag:s20] =	ssyncadd.s32 $0xFFFF8000  }
0xe4: {  	[hbm4b:s0+s3] =	stream.linear.scatter [tilespmem:s21], [sflag:$0x4], $0x8000, $0x38;
	[tilespmem:$0x18180] =	vst v63  }
0xe5: {  	_ =	swait.ge [sflag:s8], $0x8000  }
0xe6: {  	[sflag:s8] =	ssyncset.done $0x0  }
0xe7: {  	[sflag:s8] =	ssyncadd.s32 $0xFFFF8000  }
0xe8: {  	v19 =	vld [tilespmem:$0x100];
	_ =	sdelay $0x4  }
0xe9: {  	v20 =	vshll.u32 v19, $0x3  }
0xea: {  	v19 =	vand.u32 $0x7, v19;
	v20 =	vand.u32 $0xFFFFFFC0, v20  }
0xeb: {  	v19 =	vor.u32 v19, v20  }
0xec: {  	v20 =	vperm.xlane v19, v16;
	_ =	sdelay $0x1  }
0xed: {  	v20 =	vadd.s32 v17, v20;
	_ =	sdelay $0x4  }
0xee: {  	[tilespmem:s21], [sflag:$0x2] =	stream.indirect_vreg.gather [hbm4b:s1+s3], $0x80, v20, vm0, $0xb8;
	[tilespmem:$0x18180] =	vst v63  }
0xef: {  	s22 =	simm.s32 $0x8980;
	v19 =	vperm.xlane v19, v18  }
0xf0: {  	[tilespmem:s22], [sflag:$0x2] =	stream.indirect_vreg.gather [hbm4b:s4+s3], $0x80, v20, vm0, $0xb8;
	[tilespmem:$0x18180] =	vst v63  }
0xf1: {  	v19 =	vadd.s32 v17, v19;
	s22 =	simm.s32 $0x9180  }
0xf2: {  	[tilespmem:s22], [sflag:$0x2] =	stream.indirect_vreg.gather [hbm4b:s5+s3], $0x80, v20, vm0, $0xb8;
	[tilespmem:$0x18180] =	vst v63  }
0xf3: {  	s22 =	simm.s32 $0x9980  }
0xf4: {  	[tilespmem:s22], [sflag:$0x2] =	stream.indirect_vreg.gather [hbm4b:s6+s3], $0x80, v20, vm0, $0xb8;
	[tilespmem:$0x18180] =	vst v63  }
0xf5: {  	s22 =	simm.s32 $0xA180  }
0xf6: {  	[tilespmem:s22], [sflag:$0x2] =	stream.indirect_vreg.gather [hbm4b:s1+s3], $0x80, v19, vm0, $0xb8;
	[tilespmem:$0x18180] =	vst v63  }
0xf7: {  	s22 =	simm.s32 $0xA980  }
0xf8: {  	[tilespmem:s22], [sflag:$0x2] =	stream.indirect_vreg.gather [hbm4b:s4+s3], $0x80, v19, vm0, $0xb8;
	[tilespmem:$0x18180] =	vst v63  }
0xf9: {  	s22 =	simm.s32 $0xB180  }
0xfa: {  	[tilespmem:s22], [sflag:$0x2] =	stream.indirect_vreg.gather [hbm4b:s5+s3], $0x80, v19, vm0, $0xb8;
	[tilespmem:$0x18180] =	vst v63  }
0xfb: {  	s22 =	simm.s32 $0xB980  }
0xfc: {  	[tilespmem:s22], [sflag:$0x2] =	stream.indirect_vreg.gather [hbm4b:s6+s3], $0x80, v19, vm0, $0xb8;
	[tilespmem:$0x18180] =	vst v63  }
0xfd: {  	v19 =	vld [tilespmem:$0x110];
	_ =	sdelay $0x4  }
0xfe: {  	v20 =	vshll.u32 v19, $0x3  }
0xff: {  	v19 =	vand.u32 $0x7, v19;
	v20 =	vand.u32 $0xFFFFFFC0, v20  }
0x100: {  	v19 =	vor.u32 v19, v20  }
0x101: {  	v20 =	vperm.xlane v19, v16;
	_ =	sdelay $0x1  }
0x102: {  	v20 =	vadd.s32 v17, v20;
	_ =	sdelay $0x3  }
0x103: {  	s22 =	simm.s32 $0xC180  }
0x104: {  	[tilespmem:s22], [sflag:$0x2] =	stream.indirect_vreg.gather [hbm4b:s1+s3], $0x80, v20, vm0, $0xb8;
	[tilespmem:$0x18180] =	vst v63  }
0x105: {  	v19 =	vperm.xlane v19, v18;
	s22 =	simm.s32 $0xC980  }
0x106: {  	[tilespmem:s22], [sflag:$0x2] =	stream.indirect_vreg.gather [hbm4b:s4+s3], $0x80, v20, vm0, $0xb8;
	[tilespmem:$0x18180] =	vst v63  }
0x107: {  	v19 =	vadd.s32 v17, v19;
	s22 =	simm.s32 $0xD180  }
0x108: {  	[tilespmem:s22], [sflag:$0x2] =	stream.indirect_vreg.gather [hbm4b:s5+s3], $0x80, v20, vm0, $0xb8;
	[tilespmem:$0x18180] =	vst v63  }
0x109: {  	s22 =	simm.s32 $0xD980  }
0x10a: {  	[tilespmem:s22], [sflag:$0x2] =	stream.indirect_vreg.gather [hbm4b:s6+s3], $0x80, v20, vm0, $0xb8;
	[tilespmem:$0x18180] =	vst v63  }
0x10b: {  	s22 =	simm.s32 $0xE180  }
0x10c: {  	[tilespmem:s22], [sflag:$0x2] =	stream.indirect_vreg.gather [hbm4b:s1+s3], $0x80, v19, vm0, $0xb8;
	[tilespmem:$0x18180] =	vst v63  }
0x10d: {  	s22 =	simm.s32 $0xE980  }
0x10e: {  	[tilespmem:s22], [sflag:$0x2] =	stream.indirect_vreg.gather [hbm4b:s4+s3], $0x80, v19, vm0, $0xb8;
	[tilespmem:$0x18180] =	vst v63  }
0x10f: {  	s22 =	simm.s32 $0xF180  }
0x110: {  	[tilespmem:s22], [sflag:$0x2] =	stream.indirect_vreg.gather [hbm4b:s5+s3], $0x80, v19, vm0, $0xb8;
	[tilespmem:$0x18180] =	vst v63  }
0x111: {  	s0 =	simm.s32 $0x3;
	s22 =	simm.s32 $0xF980  }
0x112: {  	[tilespmem:s22], [sflag:$0x2] =	stream.indirect_vreg.gather [hbm4b:s6+s3], $0x80, v19, vm0, $0xb8;
	[tilespmem:$0x18180] =	vst v63  }
0x113: {  	_ =	swait.ge [sflag:s0], $0x8000  }
0x114: {  	[sflag:s0] =	ssyncset.done $0x0  }
0x115: {  	s22 =	rddreg [dreg:$0x7];
	[sflag:s0] =	ssyncadd.s32 $0xFFFF8000  }
0x116: {  	[hbm4b:s22+s3] =	stream.linear.scatter [tilespmem:s29], [sflag:$0x4], $0x8000, $0x38;
	[tilespmem:$0x18180] =	vst v63  }
0x117: {  	_ =	swait.ge [sflag:s8], $0x8000  }
0x118: {  	[sflag:s8] =	ssyncset.done $0x0  }
0x119: {  	[sflag:s8] =	ssyncadd.s32 $0xFFFF8000  }
0x11a: {  	v19 =	vld [tilespmem:$0x120];
	_ =	sdelay $0x4  }
0x11b: {  	v20 =	vshll.u32 v19, $0x3  }
0x11c: {  	v19 =	vand.u32 $0x7, v19;
	v20 =	vand.u32 $0xFFFFFFC0, v20  }
0x11d: {  	v19 =	vor.u32 v19, v20  }
0x11e: {  	v20 =	vperm.xlane v19, v16;
	_ =	sdelay $0x1  }
0x11f: {  	v20 =	vadd.s32 v17, v20;
	_ =	sdelay $0x4  }
0x120: {  	[tilespmem:s29], [sflag:$0x3] =	stream.indirect_vreg.gather [hbm4b:s1+s3], $0x80, v20, vm0, $0xb8;
	[tilespmem:$0x18180] =	vst v63  }
0x121: {  	v19 =	vperm.xlane v19, v18  }
0x122: {  	[tilespmem:s28], [sflag:$0x3] =	stream.indirect_vreg.gather [hbm4b:s4+s3], $0x80, v20, vm0, $0xb8;
	[tilespmem:$0x18180] =	vst v63  }
0x123: {  	v19 =	vadd.s32 v17, v19  }
0x124: {  	[tilespmem:s2], [sflag:$0x3] =	stream.indirect_vreg.gather [hbm4b:s5+s3], $0x80, v20, vm0, $0xb8;
	[tilespmem:$0x18180] =	vst v63  }
0x125: {  	_ = 	snop  }
0x126: {  	[tilespmem:s9], [sflag:$0x3] =	stream.indirect_vreg.gather [hbm4b:s6+s3], $0x80, v20, vm0, $0xb8;
	[tilespmem:$0x18180] =	vst v63  }
0x127: {  	_ = 	snop  }
0x128: {  	[tilespmem:s10], [sflag:$0x3] =	stream.indirect_vreg.gather [hbm4b:s1+s3], $0x80, v19, vm0, $0xb8;
	[tilespmem:$0x18180] =	vst v63  }
0x129: {  	_ = 	snop  }
0x12a: {  	[tilespmem:s11], [sflag:$0x3] =	stream.indirect_vreg.gather [hbm4b:s4+s3], $0x80, v19, vm0, $0xb8;
	[tilespmem:$0x18180] =	vst v63  }
0x12b: {  	_ = 	snop  }
0x12c: {  	[tilespmem:s12], [sflag:$0x3] =	stream.indirect_vreg.gather [hbm4b:s5+s3], $0x80, v19, vm0, $0xb8;
	[tilespmem:$0x18180] =	vst v63  }
0x12d: {  	_ = 	snop  }
0x12e: {  	[tilespmem:s13], [sflag:$0x3] =	stream.indirect_vreg.gather [hbm4b:s6+s3], $0x80, v19, vm0, $0xb8;
	[tilespmem:$0x18180] =	vst v63  }
0x12f: {  	v19 =	vld [tilespmem:$0x130];
	_ =	sdelay $0x4  }
0x130: {  	v20 =	vshll.u32 v19, $0x3  }
0x131: {  	v19 =	vand.u32 $0x7, v19;
	v20 =	vand.u32 $0xFFFFFFC0, v20  }
0x132: {  	v19 =	vor.u32 v19, v20  }
0x133: {  	v20 =	vperm.xlane v19, v16;
	_ =	sdelay $0x1  }
0x134: {  	v20 =	vadd.s32 v17, v20;
	_ =	sdelay $0x4  }
0x135: {  	[tilespmem:s14], [sflag:$0x3] =	stream.indirect_vreg.gather [hbm4b:s1+s3], $0x80, v20, vm0, $0xb8;
	[tilespmem:$0x18180] =	vst v63  }
0x136: {  	v19 =	vperm.xlane v19, v18  }
0x137: {  	[tilespmem:s15], [sflag:$0x3] =	stream.indirect_vreg.gather [hbm4b:s4+s3], $0x80, v20, vm0, $0xb8;
	[tilespmem:$0x18180] =	vst v63  }
0x138: {  	v19 =	vadd.s32 v17, v19  }
0x139: {  	[tilespmem:s16], [sflag:$0x3] =	stream.indirect_vreg.gather [hbm4b:s5+s3], $0x80, v20, vm0, $0xb8;
	[tilespmem:$0x18180] =	vst v63  }
0x13a: {  	_ = 	snop  }
0x13b: {  	[tilespmem:s17], [sflag:$0x3] =	stream.indirect_vreg.gather [hbm4b:s6+s3], $0x80, v20, vm0, $0xb8;
	[tilespmem:$0x18180] =	vst v63  }
0x13c: {  	_ = 	snop  }
0x13d: {  	[tilespmem:s18], [sflag:$0x3] =	stream.indirect_vreg.gather [hbm4b:s1+s3], $0x80, v19, vm0, $0xb8;
	[tilespmem:$0x18180] =	vst v63  }
0x13e: {  	_ = 	snop  }
0x13f: {  	[tilespmem:s23], [sflag:$0x3] =	stream.indirect_vreg.gather [hbm4b:s4+s3], $0x80, v19, vm0, $0xb8;
	[tilespmem:$0x18180] =	vst v63  }
0x140: {  	_ = 	snop  }
0x141: {  	[tilespmem:s24], [sflag:$0x3] =	stream.indirect_vreg.gather [hbm4b:s5+s3], $0x80, v19, vm0, $0xb8;
	[tilespmem:$0x18180] =	vst v63  }
0x142: {  	_ = 	snop  }
0x143: {  	[tilespmem:s26], [sflag:$0x3] =	stream.indirect_vreg.gather [hbm4b:s6+s3], $0x80, v19, vm0, $0xb8;
	[tilespmem:$0x18180] =	vst v63  }
0x144: {  	_ =	swait.ge [sflag:s19], $0x8000  }
0x145: {  	[sflag:s19] =	ssyncset.done $0x0  }
0x146: {  	s2 =	rddreg [dreg:$0x8];
	[sflag:s19] =	ssyncadd.s32 $0xFFFF8000  }
0x147: {  	[hbm4b:s2+s3] =	stream.linear.scatter [tilespmem:s25], [sflag:$0x4], $0x8000, $0x38;
	[tilespmem:$0x18180] =	vst v63  }
0x148: {  	_ =	swait.ge [sflag:s8], $0x8000  }
0x149: {  	[sflag:s8] =	ssyncset.done $0x0  }
0x14a: {  	[sflag:s8] =	ssyncadd.s32 $0xFFFF8000  }
0x14b: {  	v19 =	vld [tilespmem:$0x140];
	_ =	sdelay $0x4  }
0x14c: {  	v20 =	vshll.u32 v19, $0x3  }
0x14d: {  	v19 =	vand.u32 $0x7, v19;
	v20 =	vand.u32 $0xFFFFFFC0, v20  }
0x14e: {  	v19 =	vor.u32 v19, v20  }
0x14f: {  	v20 =	vperm.xlane v19, v16;
	_ =	sdelay $0x1  }
0x150: {  	v20 =	vadd.s32 v17, v20;
	_ =	sdelay $0x4  }
0x151: {  	[tilespmem:s25], [sflag:$0x1] =	stream.indirect_vreg.gather [hbm4b:s1+s3], $0x80, v20, vm0, $0xb8;
	[tilespmem:$0x18180] =	vst v63  }
0x152: {  	s22 =	simm.s32 $0x980;
	v19 =	vperm.xlane v19, v18  }
0x153: {  	[tilespmem:s22], [sflag:$0x1] =	stream.indirect_vreg.gather [hbm4b:s4+s3], $0x80, v20, vm0, $0xb8;
	[tilespmem:$0x18180] =	vst v63  }
0x154: {  	v19 =	vadd.s32 v17, v19;
	s22 =	simm.s32 $0x1180  }
0x155: {  	[tilespmem:s22], [sflag:$0x1] =	stream.indirect_vreg.gather [hbm4b:s5+s3], $0x80, v20, vm0, $0xb8;
	[tilespmem:$0x18180] =	vst v63  }
0x156: {  	s22 =	simm.s32 $0x1980  }
0x157: {  	[tilespmem:s22], [sflag:$0x1] =	stream.indirect_vreg.gather [hbm4b:s6+s3], $0x80, v20, vm0, $0xb8;
	[tilespmem:$0x18180] =	vst v63  }
0x158: {  	s22 =	simm.s32 $0x2180  }
0x159: {  	[tilespmem:s22], [sflag:$0x1] =	stream.indirect_vreg.gather [hbm4b:s1+s3], $0x80, v19, vm0, $0xb8;
	[tilespmem:$0x18180] =	vst v63  }
0x15a: {  	s22 =	simm.s32 $0x2980  }
0x15b: {  	[tilespmem:s22], [sflag:$0x1] =	stream.indirect_vreg.gather [hbm4b:s4+s3], $0x80, v19, vm0, $0xb8;
	[tilespmem:$0x18180] =	vst v63  }
0x15c: {  	_ = 	snop  }
0x15d: {  	[tilespmem:s30], [sflag:$0x1] =	stream.indirect_vreg.gather [hbm4b:s5+s3], $0x80, v19, vm0, $0xb8;
	[tilespmem:$0x18180] =	vst v63  }
0x15e: {  	_ = 	snop  }
0x15f: {  	[tilespmem:s31], [sflag:$0x1] =	stream.indirect_vreg.gather [hbm4b:s6+s3], $0x80, v19, vm0, $0xb8;
	[tilespmem:$0x18180] =	vst v63  }
0x160: {  	v19 =	vld [tilespmem:$0x150];
	_ =	sdelay $0x4  }
0x161: {  	v20 =	vshll.u32 v19, $0x3  }
0x162: {  	v19 =	vand.u32 $0x7, v19;
	v20 =	vand.u32 $0xFFFFFFC0, v20  }
0x163: {  	v19 =	vor.u32 v19, v20  }
0x164: {  	v20 =	vperm.xlane v19, v16;
	_ =	sdelay $0x1  }
0x165: {  	v20 =	vadd.s32 v17, v20;
	_ =	sdelay $0x3  }
0x166: {  	s22 =	simm.s32 $0x4180  }
0x167: {  	[tilespmem:s22], [sflag:$0x1] =	stream.indirect_vreg.gather [hbm4b:s1+s3], $0x80, v20, vm0, $0xb8;
	[tilespmem:$0x18180] =	vst v63  }
0x168: {  	v19 =	vperm.xlane v19, v18;
	s22 =	simm.s32 $0x4980  }
0x169: {  	[tilespmem:s22], [sflag:$0x1] =	stream.indirect_vreg.gather [hbm4b:s4+s3], $0x80, v20, vm0, $0xb8;
	[tilespmem:$0x18180] =	vst v63  }
0x16a: {  	v19 =	vadd.s32 v17, v19;
	s22 =	simm.s32 $0x5180  }
0x16b: {  	[tilespmem:s22], [sflag:$0x1] =	stream.indirect_vreg.gather [hbm4b:s5+s3], $0x80, v20, vm0, $0xb8;
	[tilespmem:$0x18180] =	vst v63  }
0x16c: {  	s22 =	simm.s32 $0x5980  }
0x16d: {  	[tilespmem:s22], [sflag:$0x1] =	stream.indirect_vreg.gather [hbm4b:s6+s3], $0x80, v20, vm0, $0xb8;
	[tilespmem:$0x18180] =	vst v63  }
0x16e: {  	s22 =	simm.s32 $0x6180  }
0x16f: {  	[tilespmem:s22], [sflag:$0x1] =	stream.indirect_vreg.gather [hbm4b:s1+s3], $0x80, v19, vm0, $0xb8;
	[tilespmem:$0x18180] =	vst v63  }
0x170: {  	s22 =	simm.s32 $0x6980  }
0x171: {  	[tilespmem:s22], [sflag:$0x1] =	stream.indirect_vreg.gather [hbm4b:s4+s3], $0x80, v19, vm0, $0xb8;
	[tilespmem:$0x18180] =	vst v63  }
0x172: {  	s22 =	simm.s32 $0x7180  }
0x173: {  	[tilespmem:s22], [sflag:$0x1] =	stream.indirect_vreg.gather [hbm4b:s5+s3], $0x80, v19, vm0, $0xb8;
	[tilespmem:$0x18180] =	vst v63  }
0x174: {  	s22 =	simm.s32 $0x7980  }
0x175: {  	[tilespmem:s22], [sflag:$0x1] =	stream.indirect_vreg.gather [hbm4b:s6+s3], $0x80, v19, vm0, $0xb8;
	[tilespmem:$0x18180] =	vst v63  }
0x176: {  	_ =	swait.ge [sflag:s20], $0x8000  }
0x177: {  	[sflag:s20] =	ssyncset.done $0x0  }
0x178: {  	s2 =	rddreg [dreg:$0x9];
	[sflag:s20] =	ssyncadd.s32 $0xFFFF8000  }
0x179: {  	[hbm4b:s2+s3] =	stream.linear.scatter [tilespmem:s21], [sflag:$0x4], $0x8000, $0x38;
	[tilespmem:$0x18180] =	vst v63  }
0x17a: {  	_ =	swait.ge [sflag:s8], $0x8000  }
0x17b: {  	[sflag:s8] =	ssyncset.done $0x0  }
0x17c: {  	[sflag:s8] =	ssyncadd.s32 $0xFFFF8000  }
0x17d: {  	v19 =	vld [tilespmem:$0x160];
	_ =	sdelay $0x4  }
0x17e: {  	v20 =	vshll.u32 v19, $0x3  }
0x17f: {  	v19 =	vand.u32 $0x7, v19;
	v20 =	vand.u32 $0xFFFFFFC0, v20  }
0x180: {  	v19 =	vor.u32 v19, v20  }
0x181: {  	v20 =	vperm.xlane v19, v16;
	_ =	sdelay $0x1  }
0x182: {  	v20 =	vadd.s32 v17, v20;
	_ =	sdelay $0x4  }
0x183: {  	[tilespmem:s21], [sflag:$0x2] =	stream.indirect_vreg.gather [hbm4b:s1+s3], $0x80, v20, vm0, $0xb8;
	[tilespmem:$0x18180] =	vst v63  }
0x184: {  	s22 =	simm.s32 $0x8980;
	v19 =	vperm.xlane v19, v18  }
0x185: {  	[tilespmem:s22], [sflag:$0x2] =	stream.indirect_vreg.gather [hbm4b:s4+s3], $0x80, v20, vm0, $0xb8;
	[tilespmem:$0x18180] =	vst v63  }
0x186: {  	v19 =	vadd.s32 v17, v19;
	s22 =	simm.s32 $0x9180  }
0x187: {  	[tilespmem:s22], [sflag:$0x2] =	stream.indirect_vreg.gather [hbm4b:s5+s3], $0x80, v20, vm0, $0xb8;
	[tilespmem:$0x18180] =	vst v63  }
0x188: {  	s22 =	simm.s32 $0x9980  }
0x189: {  	[tilespmem:s22], [sflag:$0x2] =	stream.indirect_vreg.gather [hbm4b:s6+s3], $0x80, v20, vm0, $0xb8;
	[tilespmem:$0x18180] =	vst v63  }
0x18a: {  	s22 =	simm.s32 $0xA180  }
0x18b: {  	[tilespmem:s22], [sflag:$0x2] =	stream.indirect_vreg.gather [hbm4b:s1+s3], $0x80, v19, vm0, $0xb8;
	[tilespmem:$0x18180] =	vst v63  }
0x18c: {  	s22 =	simm.s32 $0xA980  }
0x18d: {  	[tilespmem:s22], [sflag:$0x2] =	stream.indirect_vreg.gather [hbm4b:s4+s3], $0x80, v19, vm0, $0xb8;
	[tilespmem:$0x18180] =	vst v63  }
0x18e: {  	s22 =	simm.s32 $0xB180  }
0x18f: {  	[tilespmem:s22], [sflag:$0x2] =	stream.indirect_vreg.gather [hbm4b:s5+s3], $0x80, v19, vm0, $0xb8;
	[tilespmem:$0x18180] =	vst v63  }
0x190: {  	s22 =	simm.s32 $0xB980  }
0x191: {  	[tilespmem:s22], [sflag:$0x2] =	stream.indirect_vreg.gather [hbm4b:s6+s3], $0x80, v19, vm0, $0xb8;
	[tilespmem:$0x18180] =	vst v63  }
0x192: {  	v19 =	vld [tilespmem:$0x170];
	_ =	sdelay $0x4  }
0x193: {  	v20 =	vshll.u32 v19, $0x3  }
0x194: {  	v19 =	vand.u32 $0x7, v19;
	v20 =	vand.u32 $0xFFFFFFC0, v20  }
0x195: {  	v19 =	vor.u32 v19, v20  }
0x196: {  	v20 =	vperm.xlane v19, v16;
	_ =	sdelay $0x1  }
0x197: {  	v20 =	vadd.s32 v17, v20;
	_ =	sdelay $0x3  }
0x198: {  	s22 =	simm.s32 $0xC180  }
0x199: {  	[tilespmem:s22], [sflag:$0x2] =	stream.indirect_vreg.gather [hbm4b:s1+s3], $0x80, v20, vm0, $0xb8;
	[tilespmem:$0x18180] =	vst v63  }
0x19a: {  	v19 =	vperm.xlane v19, v18;
	s22 =	simm.s32 $0xC980  }
0x19b: {  	[tilespmem:s22], [sflag:$0x2] =	stream.indirect_vreg.gather [hbm4b:s4+s3], $0x80, v20, vm0, $0xb8;
	[tilespmem:$0x18180] =	vst v63  }
0x19c: {  	v19 =	vadd.s32 v17, v19;
	s22 =	simm.s32 $0xD180  }
0x19d: {  	[tilespmem:s22], [sflag:$0x2] =	stream.indirect_vreg.gather [hbm4b:s5+s3], $0x80, v20, vm0, $0xb8;
	[tilespmem:$0x18180] =	vst v63  }
0x19e: {  	s22 =	simm.s32 $0xD980  }
0x19f: {  	[tilespmem:s22], [sflag:$0x2] =	stream.indirect_vreg.gather [hbm4b:s6+s3], $0x80, v20, vm0, $0xb8;
	[tilespmem:$0x18180] =	vst v63  }
0x1a0: {  	s22 =	simm.s32 $0xE180  }
0x1a1: {  	[tilespmem:s22], [sflag:$0x2] =	stream.indirect_vreg.gather [hbm4b:s1+s3], $0x80, v19, vm0, $0xb8;
	[tilespmem:$0x18180] =	vst v63  }
0x1a2: {  	s22 =	simm.s32 $0xE980  }
0x1a3: {  	[tilespmem:s22], [sflag:$0x2] =	stream.indirect_vreg.gather [hbm4b:s4+s3], $0x80, v19, vm0, $0xb8;
	[tilespmem:$0x18180] =	vst v63  }
0x1a4: {  	s22 =	simm.s32 $0xF180  }
0x1a5: {  	[tilespmem:s22], [sflag:$0x2] =	stream.indirect_vreg.gather [hbm4b:s5+s3], $0x80, v19, vm0, $0xb8;
	[tilespmem:$0x18180] =	vst v63  }
0x1a6: {  	s22 =	simm.s32 $0xF980  }
0x1a7: {  	[tilespmem:s22], [sflag:$0x2] =	stream.indirect_vreg.gather [hbm4b:s6+s3], $0x80, v19, vm0, $0xb8;
	[tilespmem:$0x18180] =	vst v63  }
0x1a8: {  	_ =	swait.ge [sflag:s0], $0x8000  }
0x1a9: {  	[sflag:s0] =	ssyncset.done $0x0  }
0x1aa: {  	s2 =	rddreg [dreg:$0xa];
	[sflag:s0] =	ssyncadd.s32 $0xFFFF8000  }
0x1ab: {  	[hbm4b:s2+s3] =	stream.linear.scatter [tilespmem:s29], [sflag:$0x4], $0x8000, $0x38;
	[tilespmem:$0x18180] =	vst v63  }
0x1ac: {  	_ =	swait.ge [sflag:s8], $0x8000  }
0x1ad: {  	[sflag:s8] =	ssyncset.done $0x0  }
0x1ae: {  	[sflag:s8] =	ssyncadd.s32 $0xFFFF8000  }
0x1af: {  	_ =	swait.ge [sflag:s19], $0x8000  }
0x1b0: {  	[sflag:s19] =	ssyncset.done $0x0  }
0x1b1: {  	s0 =	rddreg [dreg:$0xb];
	[sflag:s19] =	ssyncadd.s32 $0xFFFF8000  }
0x1b2: {  	[hbm4b:s0+s3] =	stream.linear.scatter [tilespmem:s25], [sflag:$0x4], $0x8000, $0x38;
	[tilespmem:$0x18180] =	vst v63  }
0x1b3: {  	_ =	swait.ge [sflag:s8], $0x8000  }
0x1b4: {  	[sflag:s8] =	ssyncset.done $0x0  }
0x1b5: {  	[sflag:s8] =	ssyncadd.s32 $0xFFFF8000  }
0x1b6: {  	_ =	swait.ge [sflag:s20], $0x8000  }
0x1b7: {  	p0 =	sne.s32 s7, $0x1;
	[sflag:s20] =	ssyncset.done $0x0  }
.Ltmp0:
0x1b8: {  	s2 =	rddreg [dreg:$0xc];
	[sflag:s20] =	ssyncadd.s32 $0xFFFF8000;
	(pc) =	sbr.rel @p0 .LBB2_1-.Ltmp0, $4  }
0x1b9: {  	[hbm4b:s2+s3] =	stream.linear.scatter [tilespmem:s21], [sflag:$0x4], $0x8000, $0x38;
	[tilespmem:$0x18180] =	vst v63  }
0x1ba: {  	_ =	swait.ge [sflag:s8], $0x8000  }
0x1bb: {  	[sflag:s8] =	ssyncset.done $0x0  }
0x1bc: {  	s7 =	sadd.s32 $0xFFFFFFFF, s7;
	[sflag:s8] =	ssyncadd.s32 $0xFFFF8000  }
0x1bd: {  	_ =	sfence.sel $0x180000  }
0x1be: {  	[bflag:$0x0] =	sbarrier.arrive $0xFFFF  }
0x1bf: {  	_ =	strace $0x90000047  }
0x1c0: {  	s0 =	stileid.u32;
	[bflag:$0x2] =	sbarrier.arrive $0xFFFF  }
0x1c1: {  	p0 =	sne.s32 s0, $0x0;
	s0 =	rddreg [dreg:$0x3]  }
0x1c2: {  	s0 =	sadd.s32 @!p0 $0x100000, s0  }
0x1c3: {  	[sflag:s0] =	ssyncadd.tile.s32 @!p0 $0x1;
	_ =	shalt  }
.Lfunc_end2:
_tile_overlayer_lowered:
.L_overlay_start_2:
0x1c4: {  	(tag) =	ssettag $0x2  }
0x1c5: {  	s0 =	rddreg [dreg:$0x0];
	s2 =	stileid.u32  }
0x1c6: {  	s1 =	rddreg [dreg:$0x1];
	p0 =	sne.s32 s2, $0x0  }
0x1c7: {  	s3 =	rddreg [dreg:$0x2];
	[bflag:$0x3] =	sbarrier.arrive $0xFFFF;
	s2 =	simm.s32 @!p0 $0x1C04  }
0x1c8: {  	[timem:s3], [sflag:s2] =	dma.local @!p0 [hbm:s0], s1  }
0x1c9: {  	s0 =	simm.s32 @!p0 $0x4  }
0x1ca: {  	_ =	swait.ge @!p0 [sflag:s0], s1  }
0x1cb: {  	s1 =	ssub.s32 @!p0 $0x0, s1;
	[sflag:s0] =	ssyncset.done @!p0 $0x0  }
0x1cc: {  	[sflag:s0] =	ssyncadd.s32 @!p0 s1  }
0x1cd: {  	[bflag:$0x3] =	sbarrier.arrive $0xFFFF  }
0x1ce: {  	_ =	shalt  }

</sc_bundles>
